<compile_context>
chip_gen: v7x
topology: tpu7x:2x2x1
jax: 0.10.2.dev20260603
libtpu: 0.0.44.dev20260713+nightly
codegen_flags: <defaults>
</compile_context>

<pallas_src>
import functools

import jax
import jax.numpy as jnp
from jax import lax
from jax.experimental import pallas as pl
from jax.experimental.pallas import tpu as pltpu
from jax.experimental.pallas import tpu_sc as plsc

_NUM_HEADS = 16
_MAX_DISTANCE = 128


def _build_wt_sc(table_flat, n_table, q_len, n_heads):
    max_rel = _MAX_DISTANCE - 1
    info = plsc.get_sparse_core_info()
    nc, ns = info.num_cores, info.num_subcores
    nw = nc * ns
    w_cols = 2 * q_len
    halves = nw // n_heads
    cols_per_w = w_cols // halves

    mesh = plsc.VectorSubcoreMesh(core_axis_name="c", subcore_axis_name="s")

    @functools.partial(
        pl.kernel,
        mesh=mesh,
        out_type=jax.ShapeDtypeStruct((n_heads, w_cols), jnp.float32),
        scratch_types=[
            pltpu.VMEM((table_flat.shape[0],), jnp.float32),
            pltpu.VMEM((cols_per_w,), jnp.float32),
            pltpu.SemaphoreType.DMA,
        ],
        compiler_params=pltpu.CompilerParams(
            use_tc_tiling_on_sc=False, needs_layout_passes=False
        ),
    )
    def sc_kernel(table_hbm, wt_hbm, table_v, row_v, sem):
        wid = lax.axis_index("s") * nc + lax.axis_index("c")
        h = wid // halves
        half = wid % halves

        pltpu.sync_copy(table_hbm, table_v)

        lane = lax.iota(jnp.int32, 16)
        u_base = half * cols_per_w

        def build(k, carry):
            u = u_base + k * 16 + lane
            rel = (q_len - 1) - u
            idx = jnp.clip(rel, -max_rel, max_rel) + max_rel
            vals = plsc.load_gather(table_v, [h * n_table + idx])
            row_v[pl.ds(k * 16, 16)] = vals
            return carry

        lax.fori_loop(0, cols_per_w // 16, build, 0)

        pltpu.sync_copy(row_v, wt_hbm.at[h, pl.ds(u_base, cols_per_w)])

    return sc_kernel(table_flat)


def kernel(x, relative_attention_bias_table):
    q_len = x.shape[1]
    n_table, n_heads = relative_attention_bias_table.shape

    wt = _build_wt_sc(
        relative_attention_bias_table.T.reshape(-1), n_table, q_len, n_heads
    )

    bq = 128

    def tc_body(wt_ref, out_ref):
        ib = pl.program_id(0)
        start = pl.multiple_of(q_len - bq * (ib + 1), bq)
        cat = wt_ref[:, pl.ds(start, q_len + bq)]
        for r in range(bq):
            shifted = pltpu.roll(cat, (q_len + bq) + r - (bq - 1), axis=1)
            out_ref[r] = shifted[:, :q_len]

    out_t = pl.pallas_call(
        tc_body,
        grid=(q_len // bq,),
        in_specs=[pl.BlockSpec((n_heads, 2 * q_len), lambda i: (0, 0))],
        out_specs=pl.BlockSpec((bq, n_heads, q_len), lambda i: (i, 0, 0)),
        out_shape=jax.ShapeDtypeStruct((q_len, n_heads, q_len), jnp.float32),
    )(wt)

    return jnp.transpose(out_t, (0, 2, 1))

# --- scband reference (transcript-rebuilt; emitter-appended) ---
"""Pipeline reference for scband-relative-position-bias-31817117729356 (READ-ONLY COPY).

The authoritative reference and input builder live on the scoring server;
editing this copy changes nothing except your own understanding.
"""

import jax, jax.numpy as jnp
import numpy as np

NUM_HEADS = 16
MAX_DISTANCE = 128

def setup_inputs(seed: int = 0) -> dict:
    key = jax.random.key(seed)
    k1, k2 = jax.random.split(key)
    x = jax.random.normal(k1, (2, 2048, 1024), dtype=jnp.float32)
    # Layer initializes the table to zeros; use small random values so the
    # gather is numerically meaningful while staying faithful to shapes.
    relative_attention_bias_table = jax.random.normal(k2, (2 * MAX_DISTANCE - 1, NUM_HEADS), dtype=jnp.float32) * 0.02
    return {"x": x, "relative_attention_bias_table": relative_attention_bias_table}

def reference(x, relative_attention_bias_table):
    q_len = x.shape[1]
    k_len = x.shape[1]
    relative_position = jnp.arange(q_len)[:, None] - jnp.arange(k_len)[None, :]
    relative_position_clipped = jnp.clip(relative_position, -MAX_DISTANCE + 1, MAX_DISTANCE - 1)
    idx = relative_position_clipped + MAX_DISTANCE - 1
    relative_position_bias = jnp.take(relative_attention_bias_table, idx, axis=0)
    return relative_position_bias

if __name__ == "__main__":
    import jax
    _d = setup_inputs()
    print(jax.jit(kernel)(*tuple(_d.values())))

</pallas_src>

<mosaic_0001>
#map = affine_map<(d0, d1) -> (0)>
#map1 = affine_map<(d0, d1) -> (0, 0)>
module attributes {stable_mosaic.version = 14 : i64} {
  func.func @sc_kernel(%arg0: i32, %arg1: i32, %arg2: memref<4080xf32, #tpu.memory_space<hbm>>, %arg3: memref<16x4096xf32, #tpu.memory_space<hbm>>, %arg4: memref<4080xf32, #tpu.memory_space<vmem>>, %arg5: memref<2048xf32, #tpu.memory_space<vmem>>, %arg6: memref<!tpu.dma_semaphore, #tpu.memory_space<semaphore_mem>>) attributes {dimension_semantics = [#tpu.dimension_semantics<core_parallel>, #tpu.dimension_semantics<subcore_parallel>], iteration_bounds = array<i64: 2, 16>, scalar_prefetch = 0 : i64, scratch_operands = 3 : i64, tpu.core_type = #tpu.core_type<sc_vector_subcore>, window_params = [{transform_indices = #map}, {transform_indices = #map1}]} {
    %mul3A = arith.constant 2 : i32
    %mul3A_0 = arith.muli %arg1, %mul3A : i32
    %add3A = arith.addi %mul3A_0, %arg0 : i32
    %jit3A = arith.constant 2 : i32
    %div3A = arith.divsi %add3A, %jit3A : i32
    %sign3A = arith.constant 0 : i32
    %sign3A_1 = arith.cmpi sgt, %add3A, %sign3A : i32
    %sign3A_2 = arith.extui %sign3A_1 : i1 to i32
    %sign3A_3 = arith.constant 0 : i32
    %sign3A_4 = arith.cmpi slt, %add3A, %sign3A_3 : i32
    %sign3A_5 = arith.extui %sign3A_4 : i1 to i32
    %sign3A_6 = arith.subi %sign3A_2, %sign3A_5 : i32
    %sign3A_7 = arith.constant 0 : i32
    %sign3A_8 = arith.cmpi sgt, %jit3A, %sign3A_7 : i32
    %sign3A_9 = arith.extui %sign3A_8 : i1 to i32
    %sign3A_10 = arith.constant 0 : i32
    %sign3A_11 = arith.cmpi slt, %jit3A, %sign3A_10 : i32
    %sign3A_12 = arith.extui %sign3A_11 : i1 to i32
    %sign3A_13 = arith.subi %sign3A_9, %sign3A_12 : i32
    %ne3A = arith.cmpi ne, %sign3A_6, %sign3A_13 : i32
    %rem3A = arith.remsi %add3A, %jit3A : i32
    %ne3A_14 = arith.constant 0 : i32
    %ne3A_15 = arith.cmpi ne, %rem3A, %ne3A_14 : i32
    %and3A = arith.andi %ne3A, %ne3A_15 : i1
    %sub3A = arith.constant 1 : i32
    %sub3A_16 = arith.subi %div3A, %sub3A : i32
    %select_n3A = arith.select %and3A, %sub3A_16, %div3A : i32
    %jit3A_17 = arith.constant 2 : i32
    %eq3A = arith.constant 0 : i32
    %eq3A_18 = arith.cmpi eq, %jit3A_17, %eq3A : i32
    %jit3A_19 = arith.constant 1 : i32
    %select_n3A_20 = arith.select %eq3A_18, %jit3A_19, %jit3A_17 : i32
    %rem3A_21 = arith.remsi %add3A, %select_n3A_20 : i32
    %ne3A_22 = arith.constant 0 : i32
    %ne3A_23 = arith.cmpi ne, %rem3A_21, %ne3A_22 : i32
    %lt3A = arith.constant 0 : i32
    %lt3A_24 = arith.cmpi slt, %rem3A_21, %lt3A : i32
    %lt3A_25 = arith.constant 0 : i32
    %lt3A_26 = arith.cmpi slt, %select_n3A_20, %lt3A_25 : i32
    %ne3A_27 = arith.xori %lt3A_24, %lt3A_26 : i1
    %and3A_28 = arith.andi %ne3A_27, %ne3A_23 : i1
    %add3A_29 = arith.addi %rem3A_21, %select_n3A_20 : i32
    %select_n3A_30 = arith.select %and3A_28, %add3A_29, %rem3A_21 : i32
    "tpu.region"() ({
      %run_scoped3A = tpu.sem_alloc : memref<!tpu.dma_semaphore, #tpu.memory_space<semaphore_mem>>
      tpu.enqueue_dma source(%arg2 : memref<4080xf32, #tpu.memory_space<hbm>>) target(%arg4 : memref<4080xf32, #tpu.memory_space<vmem>>) target_semaphore(%run_scoped3A : memref<!tpu.dma_semaphore, #tpu.memory_space<semaphore_mem>>)
      tpu.wait_dma2 semaphore(%run_scoped3A : memref<!tpu.dma_semaphore, #tpu.memory_space<semaphore_mem>>) src(%arg2 : memref<4080xf32, #tpu.memory_space<hbm>>) dst(%arg4 : memref<4080xf32, #tpu.memory_space<vmem>>)
      tpu.yield
    }) : () -> ()
    %iota3A = tpu.iota {dimensions = array<i32: 0>} : vector<16xi32>
    %mul3A_31 = arith.constant 2048 : i32
    %mul3A_32 = arith.muli %select_n3A_30, %mul3A_31 : i32
    %scan3A = arith.constant 0 : i32
    %scan3A_33 = arith.constant 0 : i32
    %scan3A_34 = arith.constant 128 : i32
    %scan3A_35 = arith.addi %scan3A_33, %scan3A_34 : i32
    %scan3A_36 = arith.constant 1 : i32
    scf.for %scan3A_38 = %scan3A_33 to %scan3A_35 step %scan3A_36  : i32 {
      %mul3A_39 = arith.constant 16 : i32
      %mul3A_40 = arith.muli %scan3A_38, %mul3A_39 : i32
      %add3A_41 = arith.addi %mul3A_32, %mul3A_40 : i32
      %add3A_42 = vector.broadcast %add3A_41 : i32 to vector<16xi32>
      %add3A_43 = arith.addi %add3A_42, %iota3A : vector<16xi32>
      %sub3A_44 = arith.constant 2047 : i32
      %sub3A_45 = vector.broadcast %sub3A_44 : i32 to vector<16xi32>
      %sub3A_46 = arith.subi %sub3A_45, %add3A_43 : vector<16xi32>
      %jit3A_47 = arith.constant -127 : i32
      %jit3A_48 = arith.constant 127 : i32
      %max3A = vector.broadcast %jit3A_47 : i32 to vector<16xi32>
      %max3A_49 = arith.maxsi %max3A, %sub3A_46 : vector<16xi32>
      %min3A = vector.broadcast %jit3A_48 : i32 to vector<16xi32>
      %min3A_50 = arith.minsi %min3A, %max3A_49 : vector<16xi32>
      %add3A_51 = arith.constant 127 : i32
      %add3A_52 = vector.broadcast %add3A_51 : i32 to vector<16xi32>
      %add3A_53 = arith.addi %min3A_50, %add3A_52 : vector<16xi32>
      %mul3A_54 = arith.constant 255 : i32
      %mul3A_55 = arith.muli %select_n3A, %mul3A_54 : i32
      %add3A_56 = vector.broadcast %mul3A_55 : i32 to vector<16xi32>
      %add3A_57 = arith.addi %add3A_56, %add3A_53 : vector<16xi32>
      %gather3A = tpu.vector_load_idx %arg4[%add3A_57] : memref<4080xf32, #tpu.memory_space<vmem>>[vector<16xi32>], vector<16xf32>,
      %mul3A_58 = arith.constant 16 : i32
      %mul3A_59 = arith.muli %scan3A_38, %mul3A_58 : i32
      %swap3A = arith.index_cast %mul3A_59 : i32 to index
      %swap3A_60 = tpu.vector_load %arg5[%swap3A] {strides = array<i32>} : memref<2048xf32, #tpu.memory_space<vmem>>, vector<16xf32>,
      tpu.vector_store %arg5[%swap3A], %gather3A {strides = array<i32>} : memref<2048xf32, #tpu.memory_space<vmem>>, vector<16xf32>,
    }
    %scan3A_37 = arith.constant 128 : i32
    "tpu.region"() ({
      %run_scoped3A = tpu.sem_alloc : memref<!tpu.dma_semaphore, #tpu.memory_space<semaphore_mem>>
      %dma_start3A = tpu.memref_slice %arg3[%select_n3A, %mul3A_32] : memref<16x4096xf32, #tpu.memory_space<hbm>> -> memref<1x2048xf32, #tpu.memory_space<hbm>>
      %dma_start3A_38 = tpu.memref_squeeze %dma_start3A : memref<1x2048xf32, #tpu.memory_space<hbm>> -> memref<2048xf32, #tpu.memory_space<hbm>>
      %dma_start3A_39 = tpu.memref_slice %arg3[%select_n3A, %mul3A_32] : memref<16x4096xf32, #tpu.memory_space<hbm>> -> memref<1x2048xf32, #tpu.memory_space<hbm>>
      %dma_start3A_40 = tpu.memref_squeeze %dma_start3A_39 : memref<1x2048xf32, #tpu.memory_space<hbm>> -> memref<2048xf32, #tpu.memory_space<hbm>>
      tpu.enqueue_dma source(%arg5 : memref<2048xf32, #tpu.memory_space<vmem>>) target(%dma_start3A_40 : memref<2048xf32, #tpu.memory_space<hbm>>) target_semaphore(%run_scoped3A : memref<!tpu.dma_semaphore, #tpu.memory_space<semaphore_mem>>)
      %dma_wait3A = tpu.memref_slice %arg3[%select_n3A, %mul3A_32] : memref<16x4096xf32, #tpu.memory_space<hbm>> -> memref<1x2048xf32, #tpu.memory_space<hbm>>
      %dma_wait3A_41 = tpu.memref_squeeze %dma_wait3A : memref<1x2048xf32, #tpu.memory_space<hbm>> -> memref<2048xf32, #tpu.memory_space<hbm>>
      %dma_wait3A_42 = tpu.memref_slice %arg3[%select_n3A, %mul3A_32] : memref<16x4096xf32, #tpu.memory_space<hbm>> -> memref<1x2048xf32, #tpu.memory_space<hbm>>
      %dma_wait3A_43 = tpu.memref_squeeze %dma_wait3A_42 : memref<1x2048xf32, #tpu.memory_space<hbm>> -> memref<2048xf32, #tpu.memory_space<hbm>>
      tpu.wait_dma2 semaphore(%run_scoped3A : memref<!tpu.dma_semaphore, #tpu.memory_space<semaphore_mem>>) src(%arg5 : memref<2048xf32, #tpu.memory_space<vmem>>) dst(%dma_wait3A_43 : memref<2048xf32, #tpu.memory_space<hbm>>)
      tpu.yield
    }) : () -> ()
    return
  }
}

module attributes {stable_mosaic.version = 14 : i64} {
  func.func @tc_body(%arg0: i32, %arg1: memref<16x4096xf32, #tpu.memory_space<vmem>>, %arg2: memref<128x16x2048xf32, #tpu.memory_space<vmem>>) attributes {dimension_semantics = [#tpu.dimension_semantics<arbitrary>], iteration_bounds = array<i64: 16>, scalar_prefetch = 0 : i64, scratch_operands = 0 : i64, tpu.core_type = #tpu.core_type<tc>, window_params = [{pipeline_mode = #tpu.pipeline_mode<synchronous>, transform_indices = @transform_0, window_bounds = array<i64: 16, 4096>}, {transform_indices = @transform_1, window_bounds = array<i64: 128, 16, 2048>}]} {
    %add3A = arith.constant 1 : i32
    %add3A_0 = arith.addi %arg0, %add3A : i32
    %mul3A = arith.constant 128 : i32
    %mul3A_1 = arith.muli %mul3A, %add3A_0 : i32
    %sub3A = arith.constant 2048 : i32
    %sub3A_2 = arith.subi %sub3A, %mul3A_1 : i32
    %multiple_of3A = tpu.assume_multiple %sub3A_2, 128 : i32
    %get3A = arith.constant 0 : index
    %get3A_3 = arith.index_cast %multiple_of3A : i32 to index
    %get3A_4 = vector.load %arg1[%get3A, %get3A_3] : memref<16x4096xf32, #tpu.memory_space<vmem>>, vector<16x2176xf32>
    %roll3A = arith.constant 2049 : i32
    %roll3A_5 = tpu.dynamic_rotate %get3A_4 by %roll3A dim 1 : vector<16x2176xf32>, i32 -> vector<16x2176xf32>
    %slice3A = vector.extract_strided_slice %roll3A_5 {offsets = [0, 0], sizes = [16, 2048], strides = [1, 1]} : vector<16x2176xf32> to vector<16x2048xf32>
    %swap3A = arith.constant 0 : index
    %swap3A_6 = arith.constant 0 : index
    %swap3A_7 = arith.constant 0 : index
    %swap3A_8 = vector.load %arg2[%swap3A, %swap3A_6, %swap3A_7] : memref<128x16x2048xf32, #tpu.memory_space<vmem>>, vector<1x16x2048xf32>
    %swap3A_9 = vector.shape_cast %swap3A_8 : vector<1x16x2048xf32> to vector<16x2048xf32>
    %swap3A_10 = vector.shape_cast %slice3A : vector<16x2048xf32> to vector<1x16x2048xf32>
    tpu.vector_store %arg2[%swap3A, %swap3A_6, %swap3A_7], %swap3A_10 {strides = array<i32>} : memref<128x16x2048xf32, #tpu.memory_space<vmem>>, vector<1x16x2048xf32>,
    %roll3A_11 = arith.constant 2050 : i32
    %roll3A_12 = tpu.dynamic_rotate %get3A_4 by %roll3A_11 dim 1 : vector<16x2176xf32>, i32 -> vector<16x2176xf32>
    %slice3A_13 = vector.extract_strided_slice %roll3A_12 {offsets = [0, 0], sizes = [16, 2048], strides = [1, 1]} : vector<16x2176xf32> to vector<16x2048xf32>
    %swap3A_14 = arith.constant 1 : index
    %swap3A_15 = arith.constant 0 : index
    %swap3A_16 = arith.constant 0 : index
    %swap3A_17 = vector.load %arg2[%swap3A_14, %swap3A_15, %swap3A_16] : memref<128x16x2048xf32, #tpu.memory_space<vmem>>, vector<1x16x2048xf32>
    %swap3A_18 = vector.shape_cast %swap3A_17 : vector<1x16x2048xf32> to vector<16x2048xf32>
    %swap3A_19 = vector.shape_cast %slice3A_13 : vector<16x2048xf32> to vector<1x16x2048xf32>
    tpu.vector_store %arg2[%swap3A_14, %swap3A_15, %swap3A_16], %swap3A_19 {strides = array<i32>} : memref<128x16x2048xf32, #tpu.memory_space<vmem>>, vector<1x16x2048xf32>,
    %roll3A_20 = arith.constant 2051 : i32
    %roll3A_21 = tpu.dynamic_rotate %get3A_4 by %roll3A_20 dim 1 : vector<16x2176xf32>, i32 -> vector<16x2176xf32>
    %slice3A_22 = vector.extract_strided_slice %roll3A_21 {offsets = [0, 0], sizes = [16, 2048], strides = [1, 1]} : vector<16x2176xf32> to vector<16x2048xf32>
    %swap3A_23 = arith.constant 2 : index
    %swap3A_24 = arith.constant 0 : index
    %swap3A_25 = arith.constant 0 : index
    %swap3A_26 = vector.load %arg2[%swap3A_23, %swap3A_24, %swap3A_25] : memref<128x16x2048xf32, #tpu.memory_space<vmem>>, vector<1x16x2048xf32>
    %swap3A_27 = vector.shape_cast %swap3A_26 : vector<1x16x2048xf32> to vector<16x2048xf32>
    %swap3A_28 = vector.shape_cast %slice3A_22 : vector<16x2048xf32> to vector<1x16x2048xf32>
    tpu.vector_store %arg2[%swap3A_23, %swap3A_24, %swap3A_25], %swap3A_28 {strides = array<i32>} : memref<128x16x2048xf32, #tpu.memory_space<vmem>>, vector<1x16x2048xf32>,
    %roll3A_29 = arith.constant 2052 : i32
    %roll3A_30 = tpu.dynamic_rotate %get3A_4 by %roll3A_29 dim 1 : vector<16x2176xf32>, i32 -> vector<16x2176xf32>
    %slice3A_31 = vector.extract_strided_slice %roll3A_30 {offsets = [0, 0], sizes = [16, 2048], strides = [1, 1]} : vector<16x2176xf32> to vector<16x2048xf32>
    %swap3A_32 = arith.constant 3 : index
    %swap3A_33 = arith.constant 0 : index
    %swap3A_34 = arith.constant 0 : index
    %swap3A_35 = vector.load %arg2[%swap3A_32, %swap3A_33, %swap3A_34] : memref<128x16x2048xf32, #tpu.memory_space<vmem>>, vector<1x16x2048xf32>
    %swap3A_36 = vector.shape_cast %swap3A_35 : vector<1x16x2048xf32> to vector<16x2048xf32>
    %swap3A_37 = vector.shape_cast %slice3A_31 : vector<16x2048xf32> to vector<1x16x2048xf32>
    tpu.vector_store %arg2[%swap3A_32, %swap3A_33, %swap3A_34], %swap3A_37 {strides = array<i32>} : memref<128x16x2048xf32, #tpu.memory_space<vmem>>, vector<1x16x2048xf32>,
    %roll3A_38 = arith.constant 2053 : i32
    %roll3A_39 = tpu.dynamic_rotate %get3A_4 by %roll3A_38 dim 1 : vector<16x2176xf32>, i32 -> vector<16x2176xf32>
    %slice3A_40 = vector.extract_strided_slice %roll3A_39 {offsets = [0, 0], sizes = [16, 2048], strides = [1, 1]} : vector<16x2176xf32> to vector<16x2048xf32>
    %swap3A_41 = arith.constant 4 : index
    %swap3A_42 = arith.constant 0 : index
    %swap3A_43 = arith.constant 0 : index
    %swap3A_44 = vector.load %arg2[%swap3A_41, %swap3A_42, %swap3A_43] : memref<128x16x2048xf32, #tpu.memory_space<vmem>>, vector<1x16x2048xf32>
    %swap3A_45 = vector.shape_cast %swap3A_44 : vector<1x16x2048xf32> to vector<16x2048xf32>
    %swap3A_46 = vector.shape_cast %slice3A_40 : vector<16x2048xf32> to vector<1x16x2048xf32>
    tpu.vector_store %arg2[%swap3A_41, %swap3A_42, %swap3A_43], %swap3A_46 {strides = array<i32>} : memref<128x16x2048xf32, #tpu.memory_space<vmem>>, vector<1x16x2048xf32>,
    %roll3A_47 = arith.constant 2054 : i32
    %roll3A_48 = tpu.dynamic_rotate %get3A_4 by %roll3A_47 dim 1 : vector<16x2176xf32>, i32 -> vector<16x2176xf32>
    %slice3A_49 = vector.extract_strided_slice %roll3A_48 {offsets = [0, 0], sizes = [16, 2048], strides = [1, 1]} : vector<16x2176xf32> to vector<16x2048xf32>
    %swap3A_50 = arith.constant 5 : index
    %swap3A_51 = arith.constant 0 : index
    %swap3A_52 = arith.constant 0 : index
    %swap3A_53 = vector.load %arg2[%swap3A_50, %swap3A_51, %swap3A_52] : memref<128x16x2048xf32, #tpu.memory_space<vmem>>, vector<1x16x2048xf32>
    %swap3A_54 = vector.shape_cast %swap3A_53 : vector<1x16x2048xf32> to vector<16x2048xf32>
    %swap3A_55 = vector.shape_cast %slice3A_49 : vector<16x2048xf32> to vector<1x16x2048xf32>
    tpu.vector_store %arg2[%swap3A_50, %swap3A_51, %swap3A_52], %swap3A_55 {strides = array<i32>} : memref<128x16x2048xf32, #tpu.memory_space<vmem>>, vector<1x16x2048xf32>,
    %roll3A_56 = arith.constant 2055 : i32
    %roll3A_57 = tpu.dynamic_rotate %get3A_4 by %roll3A_56 dim 1 : vector<16x2176xf32>, i32 -> vector<16x2176xf32>
    %slice3A_58 = vector.extract_strided_slice %roll3A_57 {offsets = [0, 0], sizes = [16, 2048], strides = [1, 1]} : vector<16x2176xf32> to vector<16x2048xf32>
    %swap3A_59 = arith.constant 6 : index
    %swap3A_60 = arith.constant 0 : index
    %swap3A_61 = arith.constant 0 : index
    %swap3A_62 = vector.load %arg2[%swap3A_59, %swap3A_60, %swap3A_61] : memref<128x16x2048xf32, #tpu.memory_space<vmem>>, vector<1x16x2048xf32>
    %swap3A_63 = vector.shape_cast %swap3A_62 : vector<1x16x2048xf32> to vector<16x2048xf32>
    %swap3A_64 = vector.shape_cast %slice3A_58 : vector<16x2048xf32> to vector<1x16x2048xf32>
    tpu.vector_store %arg2[%swap3A_59, %swap3A_60, %swap3A_61], %swap3A_64 {strides = array<i32>} : memref<128x16x2048xf32, #tpu.memory_space<vmem>>, vector<1x16x2048xf32>,
    %roll3A_65 = arith.constant 2056 : i32
    %roll3A_66 = tpu.dynamic_rotate %get3A_4 by %roll3A_65 dim 1 : vector<16x2176xf32>, i32 -> vector<16x2176xf32>
    %slice3A_67 = vector.extract_strided_slice %roll3A_66 {offsets = [0, 0], sizes = [16, 2048], strides = [1, 1]} : vector<16x2176xf32> to vector<16x2048xf32>
    %swap3A_68 = arith.constant 7 : index
    %swap3A_69 = arith.constant 0 : index
    %swap3A_70 = arith.constant 0 : index
    %swap3A_71 = vector.load %arg2[%swap3A_68, %swap3A_69, %swap3A_70] : memref<128x16x2048xf32, #tpu.memory_space<vmem>>, vector<1x16x2048xf32>
    %swap3A_72 = vector.shape_cast %swap3A_71 : vector<1x16x2048xf32> to vector<16x2048xf32>
    %swap3A_73 = vector.shape_cast %slice3A_67 : vector<16x2048xf32> to vector<1x16x2048xf32>
    tpu.vector_store %arg2[%swap3A_68, %swap3A_69, %swap3A_70], %swap3A_73 {strides = array<i32>} : memref<128x16x2048xf32, #tpu.memory_space<vmem>>, vector<1x16x2048xf32>,
    %roll3A_74 = arith.constant 2057 : i32
    %roll3A_75 = tpu.dynamic_rotate %get3A_4 by %roll3A_74 dim 1 : vector<16x2176xf32>, i32 -> vector<16x2176xf32>
    %slice3A_76 = vector.extract_strided_slice %roll3A_75 {offsets = [0, 0], sizes = [16, 2048], strides = [1, 1]} : vector<16x2176xf32> to vector<16x2048xf32>
    %swap3A_77 = arith.constant 8 : index
    %swap3A_78 = arith.constant 0 : index
    %swap3A_79 = arith.constant 0 : index
    %swap3A_80 = vector.load %arg2[%swap3A_77, %swap3A_78, %swap3A_79] : memref<128x16x2048xf32, #tpu.memory_space<vmem>>, vector<1x16x2048xf32>
    %swap3A_81 = vector.shape_cast %swap3A_80 : vector<1x16x2048xf32> to vector<16x2048xf32>
    %swap3A_82 = vector.shape_cast %slice3A_76 : vector<16x2048xf32> to vector<1x16x2048xf32>
    tpu.vector_store %arg2[%swap3A_77, %swap3A_78, %swap3A_79], %swap3A_82 {strides = array<i32>} : memref<128x16x2048xf32, #tpu.memory_space<vmem>>, vector<1x16x2048xf32>,
    %roll3A_83 = arith.constant 2058 : i32
    %roll3A_84 = tpu.dynamic_rotate %get3A_4 by %roll3A_83 dim 1 : vector<16x2176xf32>, i32 -> vector<16x2176xf32>
    %slice3A_85 = vector.extract_strided_slice %roll3A_84 {offsets = [0, 0], sizes = [16, 2048], strides = [1, 1]} : vector<16x2176xf32> to vector<16x2048xf32>
    %swap3A_86 = arith.constant 9 : index
    %swap3A_87 = arith.constant 0 : index
    %swap3A_88 = arith.constant 0 : index
    %swap3A_89 = vector.load %arg2[%swap3A_86, %swap3A_87, %swap3A_88] : memref<128x16x2048xf32, #tpu.memory_space<vmem>>, vector<1x16x2048xf32>
    %swap3A_90 = vector.shape_cast %swap3A_89 : vector<1x16x2048xf32> to vector<16x2048xf32>
    %swap3A_91 = vector.shape_cast %slice3A_85 : vector<16x2048xf32> to vector<1x16x2048xf32>
    tpu.vector_store %arg2[%swap3A_86, %swap3A_87, %swap3A_88], %swap3A_91 {strides = array<i32>} : memref<128x16x2048xf32, #tpu.memory_space<vmem>>, vector<1x16x2048xf32>,
    %roll3A_92 = arith.constant 2059 : i32
    %roll3A_93 = tpu.dynamic_rotate %get3A_4 by %roll3A_92 dim 1 : vector<16x2176xf32>, i32 -> vector<16x2176xf32>
    %slice3A_94 = vector.extract_strided_slice %roll3A_93 {offsets = [0, 0], sizes = [16, 2048], strides = [1, 1]} : vector<16x2176xf32> to vector<16x2048xf32>
    %swap3A_95 = arith.constant 10 : index
    %swap3A_96 = arith.constant 0 : index
    %swap3A_97 = arith.constant 0 : index
    %swap3A_98 = vector.load %arg2[%swap3A_95, %swap3A_96, %swap3A_97] : memref<128x16x2048xf32, #tpu.memory_space<vmem>>, vector<1x16x2048xf32>
    %swap3A_99 = vector.shape_cast %swap3A_98 : vector<1x16x2048xf32> to vector<16x2048xf32>
    %swap3A_100 = vector.shape_cast %slice3A_94 : vector<16x2048xf32> to vector<1x16x2048xf32>
    tpu.vector_store %arg2[%swap3A_95, %swap3A_96, %swap3A_97], %swap3A_100 {strides = array<i32>} : memref<128x16x2048xf32, #tpu.memory_space<vmem>>, vector<1x16x2048xf32>,
    %roll3A_101 = arith.constant 2060 : i32
    %roll3A_102 = tpu.dynamic_rotate %get3A_4 by %roll3A_101 dim 1 : vector<16x2176xf32>, i32 -> vector<16x2176xf32>
    %slice3A_103 = vector.extract_strided_slice %roll3A_102 {offsets = [0, 0], sizes = [16, 2048], strides = [1, 1]} : vector<16x2176xf32> to vector<16x2048xf32>
    %swap3A_104 = arith.constant 11 : index
    %swap3A_105 = arith.constant 0 : index
    %swap3A_106 = arith.constant 0 : index
    %swap3A_107 = vector.load %arg2[%swap3A_104, %swap3A_105, %swap3A_106] : memref<128x16x2048xf32, #tpu.memory_space<vmem>>, vector<1x16x2048xf32>
    %swap3A_108 = vector.shape_cast %swap3A_107 : vector<1x16x2048xf32> to vector<16x2048xf32>
    %swap3A_109 = vector.shape_cast %slice3A_103 : vector<16x2048xf32> to vector<1x16x2048xf32>
    tpu.vector_store %arg2[%swap3A_104, %swap3A_105, %swap3A_106], %swap3A_109 {strides = array<i32>} : memref<128x16x2048xf32, #tpu.memory_space<vmem>>, vector<1x16x2048xf32>,
    %roll3A_110 = arith.constant 2061 : i32
    %roll3A_111 = tpu.dynamic_rotate %get3A_4 by %roll3A_110 dim 1 : vector<16x2176xf32>, i32 -> vector<16x2176xf32>
    %slice3A_112 = vector.extract_strided_slice %roll3A_111 {offsets = [0, 0], sizes = [16, 2048], strides = [1, 1]} : vector<16x2176xf32> to vector<16x2048xf32>
    %swap3A_113 = arith.constant 12 : index
    %swap3A_114 = arith.constant 0 : index
    %swap3A_115 = arith.constant 0 : index
    %swap3A_116 = vector.load %arg2[%swap3A_113, %swap3A_114, %swap3A_115] : memref<128x16x2048xf32, #tpu.memory_space<vmem>>, vector<1x16x2048xf32>
    %swap3A_117 = vector.shape_cast %swap3A_116 : vector<1x16x2048xf32> to vector<16x2048xf32>
    %swap3A_118 = vector.shape_cast %slice3A_112 : vector<16x2048xf32> to vector<1x16x2048xf32>
    tpu.vector_store %arg2[%swap3A_113, %swap3A_114, %swap3A_115], %swap3A_118 {strides = array<i32>} : memref<128x16x2048xf32, #tpu.memory_space<vmem>>, vector<1x16x2048xf32>,
    %roll3A_119 = arith.constant 2062 : i32
    %roll3A_120 = tpu.dynamic_rotate %get3A_4 by %roll3A_119 dim 1 : vector<16x2176xf32>, i32 -> vector<16x2176xf32>
    %slice3A_121 = vector.extract_strided_slice %roll3A_120 {offsets = [0, 0], sizes = [16, 2048], strides = [1, 1]} : vector<16x2176xf32> to vector<16x2048xf32>
    %swap3A_122 = arith.constant 13 : index
    %swap3A_123 = arith.constant 0 : index
    %swap3A_124 = arith.constant 0 : index
    %swap3A_125 = vector.load %arg2[%swap3A_122, %swap3A_123, %swap3A_124] : memref<128x16x2048xf32, #tpu.memory_space<vmem>>, vector<1x16x2048xf32>
    %swap3A_126 = vector.shape_cast %swap3A_125 : vector<1x16x2048xf32> to vector<16x2048xf32>
    %swap3A_127 = vector.shape_cast %slice3A_121 : vector<16x2048xf32> to vector<1x16x2048xf32>
    tpu.vector_store %arg2[%swap3A_122, %swap3A_123, %swap3A_124], %swap3A_127 {strides = array<i32>} : memref<128x16x2048xf32, #tpu.memory_space<vmem>>, vector<1x16x2048xf32>,
    %roll3A_128 = arith.constant 2063 : i32
    %roll3A_129 = tpu.dynamic_rotate %get3A_4 by %roll3A_128 dim 1 : vector<16x2176xf32>, i32 -> vector<16x2176xf32>
    %slice3A_130 = vector.extract_strided_slice %roll3A_129 {offsets = [0, 0], sizes = [16, 2048], strides = [1, 1]} : vector<16x2176xf32> to vector<16x2048xf32>
    %swap3A_131 = arith.constant 14 : index
    %swap3A_132 = arith.constant 0 : index
    %swap3A_133 = arith.constant 0 : index
    %swap3A_134 = vector.load %arg2[%swap3A_131, %swap3A_132, %swap3A_133] : memref<128x16x2048xf32, #tpu.memory_space<vmem>>, vector<1x16x2048xf32>
    %swap3A_135 = vector.shape_cast %swap3A_134 : vector<1x16x2048xf32> to vector<16x2048xf32>
    %swap3A_136 = vector.shape_cast %slice3A_130 : vector<16x2048xf32> to vector<1x16x2048xf32>
    tpu.vector_store %arg2[%swap3A_131, %swap3A_132, %swap3A_133], %swap3A_136 {strides = array<i32>} : memref<128x16x2048xf32, #tpu.memory_space<vmem>>, vector<1x16x2048xf32>,
    %roll3A_137 = arith.constant 2064 : i32
    %roll3A_138 = tpu.dynamic_rotate %get3A_4 by %roll3A_137 dim 1 : vector<16x2176xf32>, i32 -> vector<16x2176xf32>
    %slice3A_139 = vector.extract_strided_slice %roll3A_138 {offsets = [0, 0], sizes = [16, 2048], strides = [1, 1]} : vector<16x2176xf32> to vector<16x2048xf32>
    %swap3A_140 = arith.constant 15 : index
    %swap3A_141 = arith.constant 0 : index
    %swap3A_142 = arith.constant 0 : index
    %swap3A_143 = vector.load %arg2[%swap3A_140, %swap3A_141, %swap3A_142] : memref<128x16x2048xf32, #tpu.memory_space<vmem>>, vector<1x16x2048xf32>
    %swap3A_144 = vector.shape_cast %swap3A_143 : vector<1x16x2048xf32> to vector<16x2048xf32>
    %swap3A_145 = vector.shape_cast %slice3A_139 : vector<16x2048xf32> to vector<1x16x2048xf32>
    tpu.vector_store %arg2[%swap3A_140, %swap3A_141, %swap3A_142], %swap3A_145 {strides = array<i32>} : memref<128x16x2048xf32, #tpu.memory_space<vmem>>, vector<1x16x2048xf32>,
    %roll3A_146 = arith.constant 2065 : i32
    %roll3A_147 = tpu.dynamic_rotate %get3A_4 by %roll3A_146 dim 1 : vector<16x2176xf32>, i32 -> vector<16x2176xf32>
    %slice3A_148 = vector.extract_strided_slice %roll3A_147 {offsets = [0, 0], sizes = [16, 2048], strides = [1, 1]} : vector<16x2176xf32> to vector<16x2048xf32>
    %swap3A_149 = arith.constant 16 : index
    %swap3A_150 = arith.constant 0 : index
    %swap3A_151 = arith.constant 0 : index
    %swap3A_152 = vector.load %arg2[%swap3A_149, %swap3A_150, %swap3A_151] : memref<128x16x2048xf32, #tpu.memory_space<vmem>>, vector<1x16x2048xf32>
    %swap3A_153 = vector.shape_cast %swap3A_152 : vector<1x16x2048xf32> to vector<16x2048xf32>
    %swap3A_154 = vector.shape_cast %slice3A_148 : vector<16x2048xf32> to vector<1x16x2048xf32>
    tpu.vector_store %arg2[%swap3A_149, %swap3A_150, %swap3A_151], %swap3A_154 {strides = array<i32>} : memref<128x16x2048xf32, #tpu.memory_space<vmem>>, vector<1x16x2048xf32>,
    %roll3A_155 = arith.constant 2066 : i32
    %roll3A_156 = tpu.dynamic_rotate %get3A_4 by %roll3A_155 dim 1 : vector<16x2176xf32>, i32 -> vector<16x2176xf32>
    %slice3A_157 = vector.extract_strided_slice %roll3A_156 {offsets = [0, 0], sizes = [16, 2048], strides = [1, 1]} : vector<16x2176xf32> to vector<16x2048xf32>
    %swap3A_158 = arith.constant 17 : index
    %swap3A_159 = arith.constant 0 : index
    %swap3A_160 = arith.constant 0 : index
    %swap3A_161 = vector.load %arg2[%swap3A_158, %swap3A_159, %swap3A_160] : memref<128x16x2048xf32, #tpu.memory_space<vmem>>, vector<1x16x2048xf32>
    %swap3A_162 = vector.shape_cast %swap3A_161 : vector<1x16x2048xf32> to vector<16x2048xf32>
    %swap3A_163 = vector.shape_cast %slice3A_157 : vector<16x2048xf32> to vector<1x16x2048xf32>
    tpu.vector_store %arg2[%swap3A_158, %swap3A_159, %swap3A_160], %swap3A_163 {strides = array<i32>} : memref<128x16x2048xf32, #tpu.memory_space<vmem>>, vector<1x16x2048xf32>,
    %roll3A_164 = arith.constant 2067 : i32
    %roll3A_165 = tpu.dynamic_rotate %get3A_4 by %roll3A_164 dim 1 : vector<16x2176xf32>, i32 -> vector<16x2176xf32>
    %slice3A_166 = vector.extract_strided_slice %roll3A_165 {offsets = [0, 0], sizes = [16, 2048], strides = [1, 1]} : vector<16x2176xf32> to vector<16x2048xf32>
    %swap3A_167 = arith.constant 18 : index
    %swap3A_168 = arith.constant 0 : index
    %swap3A_169 = arith.constant 0 : index
    %swap3A_170 = vector.load %arg2[%swap3A_167, %swap3A_168, %swap3A_169] : memref<128x16x2048xf32, #tpu.memory_space<vmem>>, vector<1x16x2048xf32>
    %swap3A_171 = vector.shape_cast %swap3A_170 : vector<1x16x2048xf32> to vector<16x2048xf32>
    %swap3A_172 = vector.shape_cast %slice3A_166 : vector<16x2048xf32> to vector<1x16x2048xf32>
    tpu.vector_store %arg2[%swap3A_167, %swap3A_168, %swap3A_169], %swap3A_172 {strides = array<i32>} : memref<128x16x2048xf32, #tpu.memory_space<vmem>>, vector<1x16x2048xf32>,
    %roll3A_173 = arith.constant 2068 : i32
    %roll3A_174 = tpu.dynamic_rotate %get3A_4 by %roll3A_173 dim 1 : vector<16x2176xf32>, i32 -> vector<16x2176xf32>
    %slice3A_175 = vector.extract_strided_slice %roll3A_174 {offsets = [0, 0], sizes = [16, 2048], strides = [1, 1]} : vector<16x2176xf32> to vector<16x2048xf32>
    %swap3A_176 = arith.constant 19 : index
    %swap3A_177 = arith.constant 0 : index
    %swap3A_178 = arith.constant 0 : index
    %swap3A_179 = vector.load %arg2[%swap3A_176, %swap3A_177, %swap3A_178] : memref<128x16x2048xf32, #tpu.memory_space<vmem>>, vector<1x16x2048xf32>
    %swap3A_180 = vector.shape_cast %swap3A_179 : vector<1x16x2048xf32> to vector<16x2048xf32>
    %swap3A_181 = vector.shape_cast %slice3A_175 : vector<16x2048xf32> to vector<1x16x2048xf32>
    tpu.vector_store %arg2[%swap3A_176, %swap3A_177, %swap3A_178], %swap3A_181 {strides = array<i32>} : memref<128x16x2048xf32, #tpu.memory_space<vmem>>, vector<1x16x2048xf32>,
    %roll3A_182 = arith.constant 2069 : i32
    %roll3A_183 = tpu.dynamic_rotate %get3A_4 by %roll3A_182 dim 1 : vector<16x2176xf32>, i32 -> vector<16x2176xf32>
    %slice3A_184 = vector.extract_strided_slice %roll3A_183 {offsets = [0, 0], sizes = [16, 2048], strides = [1, 1]} : vector<16x2176xf32> to vector<16x2048xf32>
    %swap3A_185 = arith.constant 20 : index
    %swap3A_186 = arith.constant 0 : index
    %swap3A_187 = arith.constant 0 : index
    %swap3A_188 = vector.load %arg2[%swap3A_185, %swap3A_186, %swap3A_187] : memref<128x16x2048xf32, #tpu.memory_space<vmem>>, vector<1x16x2048xf32>
    %swap3A_189 = vector.shape_cast %swap3A_188 : vector<1x16x2048xf32> to vector<16x2048xf32>
    %swap3A_190 = vector.shape_cast %slice3A_184 : vector<16x2048xf32> to vector<1x16x2048xf32>
    tpu.vector_store %arg2[%swap3A_185, %swap3A_186, %swap3A_187], %swap3A_190 {strides = array<i32>} : memref<128x16x2048xf32, #tpu.memory_space<vmem>>, vector<1x16x2048xf32>,
    %roll3A_191 = arith.constant 2070 : i32
    %roll3A_192 = tpu.dynamic_rotate %get3A_4 by %roll3A_191 dim 1 : vector<16x2176xf32>, i32 -> vector<16x2176xf32>
    %slice3A_193 = vector.extract_strided_slice %roll3A_192 {offsets = [0, 0], sizes = [16, 2048], strides = [1, 1]} : vector<16x2176xf32> to vector<16x2048xf32>
    %swap3A_194 = arith.constant 21 : index
    %swap3A_195 = arith.constant 0 : index
    %swap3A_196 = arith.constant 0 : index
    %swap3A_197 = vector.load %arg2[%swap3A_194, %swap3A_195, %swap3A_196] : memref<128x16x2048xf32, #tpu.memory_space<vmem>>, vector<1x16x2048xf32>
    %swap3A_198 = vector.shape_cast %swap3A_197 : vector<1x16x2048xf32> to vector<16x2048xf32>
    %swap3A_199 = vector.shape_cast %slice3A_193 : vector<16x2048xf32> to vector<1x16x2048xf32>
    tpu.vector_store %arg2[%swap3A_194, %swap3A_195, %swap3A_196], %swap3A_199 {strides = array<i32>} : memref<128x16x2048xf32, #tpu.memory_space<vmem>>, vector<1x16x2048xf32>,
    %roll3A_200 = arith.constant 2071 : i32
    %roll3A_201 = tpu.dynamic_rotate %get3A_4 by %roll3A_200 dim 1 : vector<16x2176xf32>, i32 -> vector<16x2176xf32>
    %slice3A_202 = vector.extract_strided_slice %roll3A_201 {offsets = [0, 0], sizes = [16, 2048], strides = [1, 1]} : vector<16x2176xf32> to vector<16x2048xf32>
    %swap3A_203 = arith.constant 22 : index
    %swap3A_204 = arith.constant 0 : index
    %swap3A_205 = arith.constant 0 : index
    %swap3A_206 = vector.load %arg2[%swap3A_203, %swap3A_204, %swap3A_205] : memref<128x16x2048xf32, #tpu.memory_space<vmem>>, vector<1x16x2048xf32>
    %swap3A_207 = vector.shape_cast %swap3A_206 : vector<1x16x2048xf32> to vector<16x2048xf32>
    %swap3A_208 = vector.shape_cast %slice3A_202 : vector<16x2048xf32> to vector<1x16x2048xf32>
    tpu.vector_store %arg2[%swap3A_203, %swap3A_204, %swap3A_205], %swap3A_208 {strides = array<i32>} : memref<128x16x2048xf32, #tpu.memory_space<vmem>>, vector<1x16x2048xf32>,
    %roll3A_209 = arith.constant 2072 : i32
    %roll3A_210 = tpu.dynamic_rotate %get3A_4 by %roll3A_209 dim 1 : vector<16x2176xf32>, i32 -> vector<16x2176xf32>
    %slice3A_211 = vector.extract_strided_slice %roll3A_210 {offsets = [0, 0], sizes = [16, 2048], strides = [1, 1]} : vector<16x2176xf32> to vector<16x2048xf32>
    %swap3A_212 = arith.constant 23 : index
    %swap3A_213 = arith.constant 0 : index
    %swap3A_214 = arith.constant 0 : index
    %swap3A_215 = vector.load %arg2[%swap3A_212, %swap3A_213, %swap3A_214] : memref<128x16x2048xf32, #tpu.memory_space<vmem>>, vector<1x16x2048xf32>
    %swap3A_216 = vector.shape_cast %swap3A_215 : vector<1x16x2048xf32> to vector<16x2048xf32>
    %swap3A_217 = vector.shape_cast %slice3A_211 : vector<16x2048xf32> to vector<1x16x2048xf32>
    tpu.vector_store %arg2[%swap3A_212, %swap3A_213, %swap3A_214], %swap3A_217 {strides = array<i32>} : memref<128x16x2048xf32, #tpu.memory_space<vmem>>, vector<1x16x2048xf32>,
    %roll3A_218 = arith.constant 2073 : i32
    %roll3A_219 = tpu.dynamic_rotate %get3A_4 by %roll3A_218 dim 1 : vector<16x2176xf32>, i32 -> vector<16x2176xf32>
    %slice3A_220 = vector.extract_strided_slice %roll3A_219 {offsets = [0, 0], sizes = [16, 2048], strides = [1, 1]} : vector<16x2176xf32> to vector<16x2048xf32>
    %swap3A_221 = arith.constant 24 : index
    %swap3A_222 = arith.constant 0 : index
    %swap3A_223 = arith.constant 0 : index
    %swap3A_224 = vector.load %arg2[%swap3A_221, %swap3A_222, %swap3A_223] : memref<128x16x2048xf32, #tpu.memory_space<vmem>>, vector<1x16x2048xf32>
    %swap3A_225 = vector.shape_cast %swap3A_224 : vector<1x16x2048xf32> to vector<16x2048xf32>
    %swap3A_226 = vector.shape_cast %slice3A_220 : vector<16x2048xf32> to vector<1x16x2048xf32>
    tpu.vector_store %arg2[%swap3A_221, %swap3A_222, %swap3A_223], %swap3A_226 {strides = array<i32>} : memref<128x16x2048xf32, #tpu.memory_space<vmem>>, vector<1x16x2048xf32>,
    %roll3A_227 = arith.constant 2074 : i32
    %roll3A_228 = tpu.dynamic_rotate %get3A_4 by %roll3A_227 dim 1 : vector<16x2176xf32>, i32 -> vector<16x2176xf32>
    %slice3A_229 = vector.extract_strided_slice %roll3A_228 {offsets = [0, 0], sizes = [16, 2048], strides = [1, 1]} : vector<16x2176xf32> to vector<16x2048xf32>
    %swap3A_230 = arith.constant 25 : index
    %swap3A_231 = arith.constant 0 : index
    %swap3A_232 = arith.constant 0 : index
    %swap3A_233 = vector.load %arg2[%swap3A_230, %swap3A_231, %swap3A_232] : memref<128x16x2048xf32, #tpu.memory_space<vmem>>, vector<1x16x2048xf32>
    %swap3A_234 = vector.shape_cast %swap3A_233 : vector<1x16x2048xf32> to vector<16x2048xf32>
    %swap3A_235 = vector.shape_cast %slice3A_229 : vector<16x2048xf32> to vector<1x16x2048xf32>
    tpu.vector_store %arg2[%swap3A_230, %swap3A_231, %swap3A_232], %swap3A_235 {strides = array<i32>} : memref<128x16x2048xf32, #tpu.memory_space<vmem>>, vector<1x16x2048xf32>,
    %roll3A_236 = arith.constant 2075 : i32
    %roll3A_237 = tpu.dynamic_rotate %get3A_4 by %roll3A_236 dim 1 : vector<16x2176xf32>, i32 -> vector<16x2176xf32>
    %slice3A_238 = vector.extract_strided_slice %roll3A_237 {offsets = [0, 0], sizes = [16, 2048], strides = [1, 1]} : vector<16x2176xf32> to vector<16x2048xf32>
    %swap3A_239 = arith.constant 26 : index
    %swap3A_240 = arith.constant 0 : index
    %swap3A_241 = arith.constant 0 : index
    %swap3A_242 = vector.load %arg2[%swap3A_239, %swap3A_240, %swap3A_241] : memref<128x16x2048xf32, #tpu.memory_space<vmem>>, vector<1x16x2048xf32>
    %swap3A_243 = vector.shape_cast %swap3A_242 : vector<1x16x2048xf32> to vector<16x2048xf32>
    %swap3A_244 = vector.shape_cast %slice3A_238 : vector<16x2048xf32> to vector<1x16x2048xf32>
    tpu.vector_store %arg2[%swap3A_239, %swap3A_240, %swap3A_241], %swap3A_244 {strides = array<i32>} : memref<128x16x2048xf32, #tpu.memory_space<vmem>>, vector<1x16x2048xf32>,
    %roll3A_245 = arith.constant 2076 : i32
    %roll3A_246 = tpu.dynamic_rotate %get3A_4 by %roll3A_245 dim 1 : vector<16x2176xf32>, i32 -> vector<16x2176xf32>
    %slice3A_247 = vector.extract_strided_slice %roll3A_246 {offsets = [0, 0], sizes = [16, 2048], strides = [1, 1]} : vector<16x2176xf32> to vector<16x2048xf32>
    %swap3A_248 = arith.constant 27 : index
    %swap3A_249 = arith.constant 0 : index
    %swap3A_250 = arith.constant 0 : index
    %swap3A_251 = vector.load %arg2[%swap3A_248, %swap3A_249, %swap3A_250] : memref<128x16x2048xf32, #tpu.memory_space<vmem>>, vector<1x16x2048xf32>
    %swap3A_252 = vector.shape_cast %swap3A_251 : vector<1x16x2048xf32> to vector<16x2048xf32>
    %swap3A_253 = vector.shape_cast %slice3A_247 : vector<16x2048xf32> to vector<1x16x2048xf32>
    tpu.vector_store %arg2[%swap3A_248, %swap3A_249, %swap3A_250], %swap3A_253 {strides = array<i32>} : memref<128x16x2048xf32, #tpu.memory_space<vmem>>, vector<1x16x2048xf32>,
    %roll3A_254 = arith.constant 2077 : i32
    %roll3A_255 = tpu.dynamic_rotate %get3A_4 by %roll3A_254 dim 1 : vector<16x2176xf32>, i32 -> vector<16x2176xf32>
    %slice3A_256 = vector.extract_strided_slice %roll3A_255 {offsets = [0, 0], sizes = [16, 2048], strides = [1, 1]} : vector<16x2176xf32> to vector<16x2048xf32>
    %swap3A_257 = arith.constant 28 : index
    %swap3A_258 = arith.constant 0 : index
    %swap3A_259 = arith.constant 0 : index
    %swap3A_260 = vector.load %arg2[%swap3A_257, %swap3A_258, %swap3A_259] : memref<128x16x2048xf32, #tpu.memory_space<vmem>>, vector<1x16x2048xf32>
    %swap3A_261 = vector.shape_cast %swap3A_260 : vector<1x16x2048xf32> to vector<16x2048xf32>
    %swap3A_262 = vector.shape_cast %slice3A_256 : vector<16x2048xf32> to vector<1x16x2048xf32>
    tpu.vector_store %arg2[%swap3A_257, %swap3A_258, %swap3A_259], %swap3A_262 {strides = array<i32>} : memref<128x16x2048xf32, #tpu.memory_space<vmem>>, vector<1x16x2048xf32>,
    %roll3A_263 = arith.constant 2078 : i32
    %roll3A_264 = tpu.dynamic_rotate %get3A_4 by %roll3A_263 dim 1 : vector<16x2176xf32>, i32 -> vector<16x2176xf32>
    %slice3A_265 = vector.extract_strided_slice %roll3A_264 {offsets = [0, 0], sizes = [16, 2048], strides = [1, 1]} : vector<16x2176xf32> to vector<16x2048xf32>
    %swap3A_266 = arith.constant 29 : index
    %swap3A_267 = arith.constant 0 : index
    %swap3A_268 = arith.constant 0 : index
    %swap3A_269 = vector.load %arg2[%swap3A_266, %swap3A_267, %swap3A_268] : memref<128x16x2048xf32, #tpu.memory_space<vmem>>, vector<1x16x2048xf32>
    %swap3A_270 = vector.shape_cast %swap3A_269 : vector<1x16x2048xf32> to vector<16x2048xf32>
    %swap3A_271 = vector.shape_cast %slice3A_265 : vector<16x2048xf32> to vector<1x16x2048xf32>
    tpu.vector_store %arg2[%swap3A_266, %swap3A_267, %swap3A_268], %swap3A_271 {strides = array<i32>} : memref<128x16x2048xf32, #tpu.memory_space<vmem>>, vector<1x16x2048xf32>,
    %roll3A_272 = arith.constant 2079 : i32
    %roll3A_273 = tpu.dynamic_rotate %get3A_4 by %roll3A_272 dim 1 : vector<16x2176xf32>, i32 -> vector<16x2176xf32>
    %slice3A_274 = vector.extract_strided_slice %roll3A_273 {offsets = [0, 0], sizes = [16, 2048], strides = [1, 1]} : vector<16x2176xf32> to vector<16x2048xf32>
    %swap3A_275 = arith.constant 30 : index
    %swap3A_276 = arith.constant 0 : index
    %swap3A_277 = arith.constant 0 : index
    %swap3A_278 = vector.load %arg2[%swap3A_275, %swap3A_276, %swap3A_277] : memref<128x16x2048xf32, #tpu.memory_space<vmem>>, vector<1x16x2048xf32>
    %swap3A_279 = vector.shape_cast %swap3A_278 : vector<1x16x2048xf32> to vector<16x2048xf32>
    %swap3A_280 = vector.shape_cast %slice3A_274 : vector<16x2048xf32> to vector<1x16x2048xf32>
    tpu.vector_store %arg2[%swap3A_275, %swap3A_276, %swap3A_277], %swap3A_280 {strides = array<i32>} : memref<128x16x2048xf32, #tpu.memory_space<vmem>>, vector<1x16x2048xf32>,
    %roll3A_281 = arith.constant 2080 : i32
    %roll3A_282 = tpu.dynamic_rotate %get3A_4 by %roll3A_281 dim 1 : vector<16x2176xf32>, i32 -> vector<16x2176xf32>
    %slice3A_283 = vector.extract_strided_slice %roll3A_282 {offsets = [0, 0], sizes = [16, 2048], strides = [1, 1]} : vector<16x2176xf32> to vector<16x2048xf32>
    %swap3A_284 = arith.constant 31 : index
    %swap3A_285 = arith.constant 0 : index
    %swap3A_286 = arith.constant 0 : index
    %swap3A_287 = vector.load %arg2[%swap3A_284, %swap3A_285, %swap3A_286] : memref<128x16x2048xf32, #tpu.memory_space<vmem>>, vector<1x16x2048xf32>
    %swap3A_288 = vector.shape_cast %swap3A_287 : vector<1x16x2048xf32> to vector<16x2048xf32>
    %swap3A_289 = vector.shape_cast %slice3A_283 : vector<16x2048xf32> to vector<1x16x2048xf32>
    tpu.vector_store %arg2[%swap3A_284, %swap3A_285, %swap3A_286], %swap3A_289 {strides = array<i32>} : memref<128x16x2048xf32, #tpu.memory_space<vmem>>, vector<1x16x2048xf32>,
    %roll3A_290 = arith.constant 2081 : i32
    %roll3A_291 = tpu.dynamic_rotate %get3A_4 by %roll3A_290 dim 1 : vector<16x2176xf32>, i32 -> vector<16x2176xf32>
    %slice3A_292 = vector.extract_strided_slice %roll3A_291 {offsets = [0, 0], sizes = [16, 2048], strides = [1, 1]} : vector<16x2176xf32> to vector<16x2048xf32>
    %swap3A_293 = arith.constant 32 : index
    %swap3A_294 = arith.constant 0 : index
    %swap3A_295 = arith.constant 0 : index
    %swap3A_296 = vector.load %arg2[%swap3A_293, %swap3A_294, %swap3A_295] : memref<128x16x2048xf32, #tpu.memory_space<vmem>>, vector<1x16x2048xf32>
    %swap3A_297 = vector.shape_cast %swap3A_296 : vector<1x16x2048xf32> to vector<16x2048xf32>
    %swap3A_298 = vector.shape_cast %slice3A_292 : vector<16x2048xf32> to vector<1x16x2048xf32>
    tpu.vector_store %arg2[%swap3A_293, %swap3A_294, %swap3A_295], %swap3A_298 {strides = array<i32>} : memref<128x16x2048xf32, #tpu.memory_space<vmem>>, vector<1x16x2048xf32>,
    %roll3A_299 = arith.constant 2082 : i32
    %roll3A_300 = tpu.dynamic_rotate %get3A_4 by %roll3A_299 dim 1 : vector<16x2176xf32>, i32 -> vector<16x2176xf32>
    %slice3A_301 = vector.extract_strided_slice %roll3A_300 {offsets = [0, 0], sizes = [16, 2048], strides = [1, 1]} : vector<16x2176xf32> to vector<16x2048xf32>
    %swap3A_302 = arith.constant 33 : index
    %swap3A_303 = arith.constant 0 : index
    %swap3A_304 = arith.constant 0 : index
    %swap3A_305 = vector.load %arg2[%swap3A_302, %swap3A_303, %swap3A_304] : memref<128x16x2048xf32, #tpu.memory_space<vmem>>, vector<1x16x2048xf32>
    %swap3A_306 = vector.shape_cast %swap3A_305 : vector<1x16x2048xf32> to vector<16x2048xf32>
    %swap3A_307 = vector.shape_cast %slice3A_301 : vector<16x2048xf32> to vector<1x16x2048xf32>
    tpu.vector_store %arg2[%swap3A_302, %swap3A_303, %swap3A_304], %swap3A_307 {strides = array<i32>} : memref<128x16x2048xf32, #tpu.memory_space<vmem>>, vector<1x16x2048xf32>,
    %roll3A_308 = arith.constant 2083 : i32
    %roll3A_309 = tpu.dynamic_rotate %get3A_4 by %roll3A_308 dim 1 : vector<16x2176xf32>, i32 -> vector<16x2176xf32>
    %slice3A_310 = vector.extract_strided_slice %roll3A_309 {offsets = [0, 0], sizes = [16, 2048], strides = [1, 1]} : vector<16x2176xf32> to vector<16x2048xf32>
    %swap3A_311 = arith.constant 34 : index
    %swap3A_312 = arith.constant 0 : index
    %swap3A_313 = arith.constant 0 : index
    %swap3A_314 = vector.load %arg2[%swap3A_311, %swap3A_312, %swap3A_313] : memref<128x16x2048xf32, #tpu.memory_space<vmem>>, vector<1x16x2048xf32>
    %swap3A_315 = vector.shape_cast %swap3A_314 : vector<1x16x2048xf32> to vector<16x2048xf32>
    %swap3A_316 = vector.shape_cast %slice3A_310 : vector<16x2048xf32> to vector<1x16x2048xf32>
    tpu.vector_store %arg2[%swap3A_311, %swap3A_312, %swap3A_313], %swap3A_316 {strides = array<i32>} : memref<128x16x2048xf32, #tpu.memory_space<vmem>>, vector<1x16x2048xf32>,
    %roll3A_317 = arith.constant 2084 : i32
    %roll3A_318 = tpu.dynamic_rotate %get3A_4 by %roll3A_317 dim 1 : vector<16x2176xf32>, i32 -> vector<16x2176xf32>
    %slice3A_319 = vector.extract_strided_slice %roll3A_318 {offsets = [0, 0], sizes = [16, 2048], strides = [1, 1]} : vector<16x2176xf32> to vector<16x2048xf32>
    %swap3A_320 = arith.constant 35 : index
    %swap3A_321 = arith.constant 0 : index
    %swap3A_322 = arith.constant 0 : index
    %swap3A_323 = vector.load %arg2[%swap3A_320, %swap3A_321, %swap3A_322] : memref<128x16x2048xf32, #tpu.memory_space<vmem>>, vector<1x16x2048xf32>
    %swap3A_324 = vector.shape_cast %swap3A_323 : vector<1x16x2048xf32> to vector<16x2048xf32>
    %swap3A_325 = vector.shape_cast %slice3A_319 : vector<16x2048xf32> to vector<1x16x2048xf32>
    tpu.vector_store %arg2[%swap3A_320, %swap3A_321, %swap3A_322], %swap3A_325 {strides = array<i32>} : memref<128x16x2048xf32, #tpu.memory_space<vmem>>, vector<1x16x2048xf32>,
    %roll3A_326 = arith.constant 2085 : i32
    %roll3A_327 = tpu.dynamic_rotate %get3A_4 by %roll3A_326 dim 1 : vector<16x2176xf32>, i32 -> vector<16x2176xf32>
    %slice3A_328 = vector.extract_strided_slice %roll3A_327 {offsets = [0, 0], sizes = [16, 2048], strides = [1, 1]} : vector<16x2176xf32> to vector<16x2048xf32>
    %swap3A_329 = arith.constant 36 : index
    %swap3A_330 = arith.constant 0 : index
    %swap3A_331 = arith.constant 0 : index
    %swap3A_332 = vector.load %arg2[%swap3A_329, %swap3A_330, %swap3A_331] : memref<128x16x2048xf32, #tpu.memory_space<vmem>>, vector<1x16x2048xf32>
    %swap3A_333 = vector.shape_cast %swap3A_332 : vector<1x16x2048xf32> to vector<16x2048xf32>
    %swap3A_334 = vector.shape_cast %slice3A_328 : vector<16x2048xf32> to vector<1x16x2048xf32>
    tpu.vector_store %arg2[%swap3A_329, %swap3A_330, %swap3A_331], %swap3A_334 {strides = array<i32>} : memref<128x16x2048xf32, #tpu.memory_space<vmem>>, vector<1x16x2048xf32>,
    %roll3A_335 = arith.constant 2086 : i32
    %roll3A_336 = tpu.dynamic_rotate %get3A_4 by %roll3A_335 dim 1 : vector<16x2176xf32>, i32 -> vector<16x2176xf32>
    %slice3A_337 = vector.extract_strided_slice %roll3A_336 {offsets = [0, 0], sizes = [16, 2048], strides = [1, 1]} : vector<16x2176xf32> to vector<16x2048xf32>
    %swap3A_338 = arith.constant 37 : index
    %swap3A_339 = arith.constant 0 : index
    %swap3A_340 = arith.constant 0 : index
    %swap3A_341 = vector.load %arg2[%swap3A_338, %swap3A_339, %swap3A_340] : memref<128x16x2048xf32, #tpu.memory_space<vmem>>, vector<1x16x2048xf32>
    %swap3A_342 = vector.shape_cast %swap3A_341 : vector<1x16x2048xf32> to vector<16x2048xf32>
    %swap3A_343 = vector.shape_cast %slice3A_337 : vector<16x2048xf32> to vector<1x16x2048xf32>
    tpu.vector_store %arg2[%swap3A_338, %swap3A_339, %swap3A_340], %swap3A_343 {strides = array<i32>} : memref<128x16x2048xf32, #tpu.memory_space<vmem>>, vector<1x16x2048xf32>,
    %roll3A_344 = arith.constant 2087 : i32
    %roll3A_345 = tpu.dynamic_rotate %get3A_4 by %roll3A_344 dim 1 : vector<16x2176xf32>, i32 -> vector<16x2176xf32>
    %slice3A_346 = vector.extract_strided_slice %roll3A_345 {offsets = [0, 0], sizes = [16, 2048], strides = [1, 1]} : vector<16x2176xf32> to vector<16x2048xf32>
    %swap3A_347 = arith.constant 38 : index
    %swap3A_348 = arith.constant 0 : index
    %swap3A_349 = arith.constant 0 : index
    %swap3A_350 = vector.load %arg2[%swap3A_347, %swap3A_348, %swap3A_349] : memref<128x16x2048xf32, #tpu.memory_space<vmem>>, vector<1x16x2048xf32>
    %swap3A_351 = vector.shape_cast %swap3A_350 : vector<1x16x2048xf32> to vector<16x2048xf32>
    %swap3A_352 = vector.shape_cast %slice3A_346 : vector<16x2048xf32> to vector<1x16x2048xf32>
    tpu.vector_store %arg2[%swap3A_347, %swap3A_348, %swap3A_349], %swap3A_352 {strides = array<i32>} : memref<128x16x2048xf32, #tpu.memory_space<vmem>>, vector<1x16x2048xf32>,
    %roll3A_353 = arith.constant 2088 : i32
    %roll3A_354 = tpu.dynamic_rotate %get3A_4 by %roll3A_353 dim 1 : vector<16x2176xf32>, i32 -> vector<16x2176xf32>
    %slice3A_355 = vector.extract_strided_slice %roll3A_354 {offsets = [0, 0], sizes = [16, 2048], strides = [1, 1]} : vector<16x2176xf32> to vector<16x2048xf32>
    %swap3A_356 = arith.constant 39 : index
    %swap3A_357 = arith.constant 0 : index
    %swap3A_358 = arith.constant 0 : index
    %swap3A_359 = vector.load %arg2[%swap3A_356, %swap3A_357, %swap3A_358] : memref<128x16x2048xf32, #tpu.memory_space<vmem>>, vector<1x16x2048xf32>
    %swap3A_360 = vector.shape_cast %swap3A_359 : vector<1x16x2048xf32> to vector<16x2048xf32>
    %swap3A_361 = vector.shape_cast %slice3A_355 : vector<16x2048xf32> to vector<1x16x2048xf32>
    tpu.vector_store %arg2[%swap3A_356, %swap3A_357, %swap3A_358], %swap3A_361 {strides = array<i32>} : memref<128x16x2048xf32, #tpu.memory_space<vmem>>, vector<1x16x2048xf32>,
    %roll3A_362 = arith.constant 2089 : i32
    %roll3A_363 = tpu.dynamic_rotate %get3A_4 by %roll3A_362 dim 1 : vector<16x2176xf32>, i32 -> vector<16x2176xf32>
    %slice3A_364 = vector.extract_strided_slice %roll3A_363 {offsets = [0, 0], sizes = [16, 2048], strides = [1, 1]} : vector<16x2176xf32> to vector<16x2048xf32>
    %swap3A_365 = arith.constant 40 : index
    %swap3A_366 = arith.constant 0 : index
    %swap3A_367 = arith.constant 0 : index
    %swap3A_368 = vector.load %arg2[%swap3A_365, %swap3A_366, %swap3A_367] : memref<128x16x2048xf32, #tpu.memory_space<vmem>>, vector<1x16x2048xf32>
    %swap3A_369 = vector.shape_cast %swap3A_368 : vector<1x16x2048xf32> to vector<16x2048xf32>
    %swap3A_370 = vector.shape_cast %slice3A_364 : vector<16x2048xf32> to vector<1x16x2048xf32>
    tpu.vector_store %arg2[%swap3A_365, %swap3A_366, %swap3A_367], %swap3A_370 {strides = array<i32>} : memref<128x16x2048xf32, #tpu.memory_space<vmem>>, vector<1x16x2048xf32>,
    %roll3A_371 = arith.constant 2090 : i32
    %roll3A_372 = tpu.dynamic_rotate %get3A_4 by %roll3A_371 dim 1 : vector<16x2176xf32>, i32 -> vector<16x2176xf32>
    %slice3A_373 = vector.extract_strided_slice %roll3A_372 {offsets = [0, 0], sizes = [16, 2048], strides = [1, 1]} : vector<16x2176xf32> to vector<16x2048xf32>
    %swap3A_374 = arith.constant 41 : index
    %swap3A_375 = arith.constant 0 : index
    %swap3A_376 = arith.constant 0 : index
    %swap3A_377 = vector.load %arg2[%swap3A_374, %swap3A_375, %swap3A_376] : memref<128x16x2048xf32, #tpu.memory_space<vmem>>, vector<1x16x2048xf32>
    %swap3A_378 = vector.shape_cast %swap3A_377 : vector<1x16x2048xf32> to vector<16x2048xf32>
    %swap3A_379 = vector.shape_cast %slice3A_373 : vector<16x2048xf32> to vector<1x16x2048xf32>
    tpu.vector_store %arg2[%swap3A_374, %swap3A_375, %swap3A_376], %swap3A_379 {strides = array<i32>} : memref<128x16x2048xf32, #tpu.memory_space<vmem>>, vector<1x16x2048xf32>,
    %roll3A_380 = arith.constant 2091 : i32
    %roll3A_381 = tpu.dynamic_rotate %get3A_4 by %roll3A_380 dim 1 : vector<16x2176xf32>, i32 -> vector<16x2176xf32>
    %slice3A_382 = vector.extract_strided_slice %roll3A_381 {offsets = [0, 0], sizes = [16, 2048], strides = [1, 1]} : vector<16x2176xf32> to vector<16x2048xf32>
    %swap3A_383 = arith.constant 42 : index
    %swap3A_384 = arith.constant 0 : index
    %swap3A_385 = arith.constant 0 : index
    %swap3A_386 = vector.load %arg2[%swap3A_383, %swap3A_384, %swap3A_385] : memref<128x16x2048xf32, #tpu.memory_space<vmem>>, vector<1x16x2048xf32>
    %swap3A_387 = vector.shape_cast %swap3A_386 : vector<1x16x2048xf32> to vector<16x2048xf32>
    %swap3A_388 = vector.shape_cast %slice3A_382 : vector<16x2048xf32> to vector<1x16x2048xf32>
    tpu.vector_store %arg2[%swap3A_383, %swap3A_384, %swap3A_385], %swap3A_388 {strides = array<i32>} : memref<128x16x2048xf32, #tpu.memory_space<vmem>>, vector<1x16x2048xf32>,
    %roll3A_389 = arith.constant 2092 : i32
    %roll3A_390 = tpu.dynamic_rotate %get3A_4 by %roll3A_389 dim 1 : vector<16x2176xf32>, i32 -> vector<16x2176xf32>
    %slice3A_391 = vector.extract_strided_slice %roll3A_390 {offsets = [0, 0], sizes = [16, 2048], strides = [1, 1]} : vector<16x2176xf32> to vector<16x2048xf32>
    %swap3A_392 = arith.constant 43 : index
    %swap3A_393 = arith.constant 0 : index
    %swap3A_394 = arith.constant 0 : index
    %swap3A_395 = vector.load %arg2[%swap3A_392, %swap3A_393, %swap3A_394] : memref<128x16x2048xf32, #tpu.memory_space<vmem>>, vector<1x16x2048xf32>
    %swap3A_396 = vector.shape_cast %swap3A_395 : vector<1x16x2048xf32> to vector<16x2048xf32>
    %swap3A_397 = vector.shape_cast %slice3A_391 : vector<16x2048xf32> to vector<1x16x2048xf32>
    tpu.vector_store %arg2[%swap3A_392, %swap3A_393, %swap3A_394], %swap3A_397 {strides = array<i32>} : memref<128x16x2048xf32, #tpu.memory_space<vmem>>, vector<1x16x2048xf32>,
    %roll3A_398 = arith.constant 2093 : i32
    %roll3A_399 = tpu.dynamic_rotate %get3A_4 by %roll3A_398 dim 1 : vector<16x2176xf32>, i32 -> vector<16x2176xf32>
    %slice3A_400 = vector.extract_strided_slice %roll3A_399 {offsets = [0, 0], sizes = [16, 2048], strides = [1, 1]} : vector<16x2176xf32> to vector<16x2048xf32>
    %swap3A_401 = arith.constant 44 : index
    %swap3A_402 = arith.constant 0 : index
    %swap3A_403 = arith.constant 0 : index
    %swap3A_404 = vector.load %arg2[%swap3A_401, %swap3A_402, %swap3A_403] : memref<128x16x2048xf32, #tpu.memory_space<vmem>>, vector<1x16x2048xf32>
    %swap3A_405 = vector.shape_cast %swap3A_404 : vector<1x16x2048xf32> to vector<16x2048xf32>
    %swap3A_406 = vector.shape_cast %slice3A_400 : vector<16x2048xf32> to vector<1x16x2048xf32>
    tpu.vector_store %arg2[%swap3A_401, %swap3A_402, %swap3A_403], %swap3A_406 {strides = array<i32>} : memref<128x16x2048xf32, #tpu.memory_space<vmem>>, vector<1x16x2048xf32>,
    %roll3A_407 = arith.constant 2094 : i32
    %roll3A_408 = tpu.dynamic_rotate %get3A_4 by %roll3A_407 dim 1 : vector<16x2176xf32>, i32 -> vector<16x2176xf32>
    %slice3A_409 = vector.extract_strided_slice %roll3A_408 {offsets = [0, 0], sizes = [16, 2048], strides = [1, 1]} : vector<16x2176xf32> to vector<16x2048xf32>
    %swap3A_410 = arith.constant 45 : index
    %swap3A_411 = arith.constant 0 : index
    %swap3A_412 = arith.constant 0 : index
    %swap3A_413 = vector.load %arg2[%swap3A_410, %swap3A_411, %swap3A_412] : memref<128x16x2048xf32, #tpu.memory_space<vmem>>, vector<1x16x2048xf32>
    %swap3A_414 = vector.shape_cast %swap3A_413 : vector<1x16x2048xf32> to vector<16x2048xf32>
    %swap3A_415 = vector.shape_cast %slice3A_409 : vector<16x2048xf32> to vector<1x16x2048xf32>
    tpu.vector_store %arg2[%swap3A_410, %swap3A_411, %swap3A_412], %swap3A_415 {strides = array<i32>} : memref<128x16x2048xf32, #tpu.memory_space<vmem>>, vector<1x16x2048xf32>,
    %roll3A_416 = arith.constant 2095 : i32
    %roll3A_417 = tpu.dynamic_rotate %get3A_4 by %roll3A_416 dim 1 : vector<16x2176xf32>, i32 -> vector<16x2176xf32>
    %slice3A_418 = vector.extract_strided_slice %roll3A_417 {offsets = [0, 0], sizes = [16, 2048], strides = [1, 1]} : vector<16x2176xf32> to vector<16x2048xf32>
    %swap3A_419 = arith.constant 46 : index
    %swap3A_420 = arith.constant 0 : index
    %swap3A_421 = arith.constant 0 : index
    %swap3A_422 = vector.load %arg2[%swap3A_419, %swap3A_420, %swap3A_421] : memref<128x16x2048xf32, #tpu.memory_space<vmem>>, vector<1x16x2048xf32>
    %swap3A_423 = vector.shape_cast %swap3A_422 : vector<1x16x2048xf32> to vector<16x2048xf32>
    %swap3A_424 = vector.shape_cast %slice3A_418 : vector<16x2048xf32> to vector<1x16x2048xf32>
    tpu.vector_store %arg2[%swap3A_419, %swap3A_420, %swap3A_421], %swap3A_424 {strides = array<i32>} : memref<128x16x2048xf32, #tpu.memory_space<vmem>>, vector<1x16x2048xf32>,
    %roll3A_425 = arith.constant 2096 : i32
    %roll3A_426 = tpu.dynamic_rotate %get3A_4 by %roll3A_425 dim 1 : vector<16x2176xf32>, i32 -> vector<16x2176xf32>
    %slice3A_427 = vector.extract_strided_slice %roll3A_426 {offsets = [0, 0], sizes = [16, 2048], strides = [1, 1]} : vector<16x2176xf32> to vector<16x2048xf32>
    %swap3A_428 = arith.constant 47 : index
    %swap3A_429 = arith.constant 0 : index
    %swap3A_430 = arith.constant 0 : index
    %swap3A_431 = vector.load %arg2[%swap3A_428, %swap3A_429, %swap3A_430] : memref<128x16x2048xf32, #tpu.memory_space<vmem>>, vector<1x16x2048xf32>
    %swap3A_432 = vector.shape_cast %swap3A_431 : vector<1x16x2048xf32> to vector<16x2048xf32>
    %swap3A_433 = vector.shape_cast %slice3A_427 : vector<16x2048xf32> to vector<1x16x2048xf32>
    tpu.vector_store %arg2[%swap3A_428, %swap3A_429, %swap3A_430], %swap3A_433 {strides = array<i32>} : memref<128x16x2048xf32, #tpu.memory_space<vmem>>, vector<1x16x2048xf32>,
    %roll3A_434 = arith.constant 2097 : i32
    %roll3A_435 = tpu.dynamic_rotate %get3A_4 by %roll3A_434 dim 1 : vector<16x2176xf32>, i32 -> vector<16x2176xf32>
    %slice3A_436 = vector.extract_strided_slice %roll3A_435 {offsets = [0, 0], sizes = [16, 2048], strides = [1, 1]} : vector<16x2176xf32> to vector<16x2048xf32>
    %swap3A_437 = arith.constant 48 : index
    %swap3A_438 = arith.constant 0 : index
    %swap3A_439 = arith.constant 0 : index
    %swap3A_440 = vector.load %arg2[%swap3A_437, %swap3A_438, %swap3A_439] : memref<128x16x2048xf32, #tpu.memory_space<vmem>>, vector<1x16x2048xf32>
    %swap3A_441 = vector.shape_cast %swap3A_440 : vector<1x16x2048xf32> to vector<16x2048xf32>
    %swap3A_442 = vector.shape_cast %slice3A_436 : vector<16x2048xf32> to vector<1x16x2048xf32>
    tpu.vector_store %arg2[%swap3A_437, %swap3A_438, %swap3A_439], %swap3A_442 {strides = array<i32>} : memref<128x16x2048xf32, #tpu.memory_space<vmem>>, vector<1x16x2048xf32>,
    %roll3A_443 = arith.constant 2098 : i32
    %roll3A_444 = tpu.dynamic_rotate %get3A_4 by %roll3A_443 dim 1 : vector<16x2176xf32>, i32 -> vector<16x2176xf32>
    %slice3A_445 = vector.extract_strided_slice %roll3A_444 {offsets = [0, 0], sizes = [16, 2048], strides = [1, 1]} : vector<16x2176xf32> to vector<16x2048xf32>
    %swap3A_446 = arith.constant 49 : index
    %swap3A_447 = arith.constant 0 : index
    %swap3A_448 = arith.constant 0 : index
    %swap3A_449 = vector.load %arg2[%swap3A_446, %swap3A_447, %swap3A_448] : memref<128x16x2048xf32, #tpu.memory_space<vmem>>, vector<1x16x2048xf32>
    %swap3A_450 = vector.shape_cast %swap3A_449 : vector<1x16x2048xf32> to vector<16x2048xf32>
    %swap3A_451 = vector.shape_cast %slice3A_445 : vector<16x2048xf32> to vector<1x16x2048xf32>
    tpu.vector_store %arg2[%swap3A_446, %swap3A_447, %swap3A_448], %swap3A_451 {strides = array<i32>} : memref<128x16x2048xf32, #tpu.memory_space<vmem>>, vector<1x16x2048xf32>,
    %roll3A_452 = arith.constant 2099 : i32
    %roll3A_453 = tpu.dynamic_rotate %get3A_4 by %roll3A_452 dim 1 : vector<16x2176xf32>, i32 -> vector<16x2176xf32>
    %slice3A_454 = vector.extract_strided_slice %roll3A_453 {offsets = [0, 0], sizes = [16, 2048], strides = [1, 1]} : vector<16x2176xf32> to vector<16x2048xf32>
    %swap3A_455 = arith.constant 50 : index
    %swap3A_456 = arith.constant 0 : index
    %swap3A_457 = arith.constant 0 : index
    %swap3A_458 = vector.load %arg2[%swap3A_455, %swap3A_456, %swap3A_457] : memref<128x16x2048xf32, #tpu.memory_space<vmem>>, vector<1x16x2048xf32>
    %swap3A_459 = vector.shape_cast %swap3A_458 : vector<1x16x2048xf32> to vector<16x2048xf32>
    %swap3A_460 = vector.shape_cast %slice3A_454 : vector<16x2048xf32> to vector<1x16x2048xf32>
    tpu.vector_store %arg2[%swap3A_455, %swap3A_456, %swap3A_457], %swap3A_460 {strides = array<i32>} : memref<128x16x2048xf32, #tpu.memory_space<vmem>>, vector<1x16x2048xf32>,
    %roll3A_461 = arith.constant 2100 : i32
    %roll3A_462 = tpu.dynamic_rotate %get3A_4 by %roll3A_461 dim 1 : vector<16x2176xf32>, i32 -> vector<16x2176xf32>
    %slice3A_463 = vector.extract_strided_slice %roll3A_462 {offsets = [0, 0], sizes = [16, 2048], strides = [1, 1]} : vector<16x2176xf32> to vector<16x2048xf32>
    %swap3A_464 = arith.constant 51 : index
    %swap3A_465 = arith.constant 0 : index
    %swap3A_466 = arith.constant 0 : index
    %swap3A_467 = vector.load %arg2[%swap3A_464, %swap3A_465, %swap3A_466] : memref<128x16x2048xf32, #tpu.memory_space<vmem>>, vector<1x16x2048xf32>
    %swap3A_468 = vector.shape_cast %swap3A_467 : vector<1x16x2048xf32> to vector<16x2048xf32>
    %swap3A_469 = vector.shape_cast %slice3A_463 : vector<16x2048xf32> to vector<1x16x2048xf32>
    tpu.vector_store %arg2[%swap3A_464, %swap3A_465, %swap3A_466], %swap3A_469 {strides = array<i32>} : memref<128x16x2048xf32, #tpu.memory_space<vmem>>, vector<1x16x2048xf32>,
    %roll3A_470 = arith.constant 2101 : i32
    %roll3A_471 = tpu.dynamic_rotate %get3A_4 by %roll3A_470 dim 1 : vector<16x2176xf32>, i32 -> vector<16x2176xf32>
    %slice3A_472 = vector.extract_strided_slice %roll3A_471 {offsets = [0, 0], sizes = [16, 2048], strides = [1, 1]} : vector<16x2176xf32> to vector<16x2048xf32>
    %swap3A_473 = arith.constant 52 : index
    %swap3A_474 = arith.constant 0 : index
    %swap3A_475 = arith.constant 0 : index
    %swap3A_476 = vector.load %arg2[%swap3A_473, %swap3A_474, %swap3A_475] : memref<128x16x2048xf32, #tpu.memory_space<vmem>>, vector<1x16x2048xf32>
    %swap3A_477 = vector.shape_cast %swap3A_476 : vector<1x16x2048xf32> to vector<16x2048xf32>
    %swap3A_478 = vector.shape_cast %slice3A_472 : vector<16x2048xf32> to vector<1x16x2048xf32>
    tpu.vector_store %arg2[%swap3A_473, %swap3A_474, %swap3A_475], %swap3A_478 {strides = array<i32>} : memref<128x16x2048xf32, #tpu.memory_space<vmem>>, vector<1x16x2048xf32>,
    %roll3A_479 = arith.constant 2102 : i32
    %roll3A_480 = tpu.dynamic_rotate %get3A_4 by %roll3A_479 dim 1 : vector<16x2176xf32>, i32 -> vector<16x2176xf32>
    %slice3A_481 = vector.extract_strided_slice %roll3A_480 {offsets = [0, 0], sizes = [16, 2048], strides = [1, 1]} : vector<16x2176xf32> to vector<16x2048xf32>
    %swap3A_482 = arith.constant 53 : index
    %swap3A_483 = arith.constant 0 : index
    %swap3A_484 = arith.constant 0 : index
    %swap3A_485 = vector.load %arg2[%swap3A_482, %swap3A_483, %swap3A_484] : memref<128x16x2048xf32, #tpu.memory_space<vmem>>, vector<1x16x2048xf32>
    %swap3A_486 = vector.shape_cast %swap3A_485 : vector<1x16x2048xf32> to vector<16x2048xf32>
    %swap3A_487 = vector.shape_cast %slice3A_481 : vector<16x2048xf32> to vector<1x16x2048xf32>
    tpu.vector_store %arg2[%swap3A_482, %swap3A_483, %swap3A_484], %swap3A_487 {strides = array<i32>} : memref<128x16x2048xf32, #tpu.memory_space<vmem>>, vector<1x16x2048xf32>,
    %roll3A_488 = arith.constant 2103 : i32
    %roll3A_489 = tpu.dynamic_rotate %get3A_4 by %roll3A_488 dim 1 : vector<16x2176xf32>, i32 -> vector<16x2176xf32>
    %slice3A_490 = vector.extract_strided_slice %roll3A_489 {offsets = [0, 0], sizes = [16, 2048], strides = [1, 1]} : vector<16x2176xf32> to vector<16x2048xf32>
    %swap3A_491 = arith.constant 54 : index
    %swap3A_492 = arith.constant 0 : index
    %swap3A_493 = arith.constant 0 : index
    %swap3A_494 = vector.load %arg2[%swap3A_491, %swap3A_492, %swap3A_493] : memref<128x16x2048xf32, #tpu.memory_space<vmem>>, vector<1x16x2048xf32>
    %swap3A_495 = vector.shape_cast %swap3A_494 : vector<1x16x2048xf32> to vector<16x2048xf32>
    %swap3A_496 = vector.shape_cast %slice3A_490 : vector<16x2048xf32> to vector<1x16x2048xf32>
    tpu.vector_store %arg2[%swap3A_491, %swap3A_492, %swap3A_493], %swap3A_496 {strides = array<i32>} : memref<128x16x2048xf32, #tpu.memory_space<vmem>>, vector<1x16x2048xf32>,
    %roll3A_497 = arith.constant 2104 : i32
    %roll3A_498 = tpu.dynamic_rotate %get3A_4 by %roll3A_497 dim 1 : vector<16x2176xf32>, i32 -> vector<16x2176xf32>
    %slice3A_499 = vector.extract_strided_slice %roll3A_498 {offsets = [0, 0], sizes = [16, 2048], strides = [1, 1]} : vector<16x2176xf32> to vector<16x2048xf32>
    %swap3A_500 = arith.constant 55 : index
    %swap3A_501 = arith.constant 0 : index
    %swap3A_502 = arith.constant 0 : index
    %swap3A_503 = vector.load %arg2[%swap3A_500, %swap3A_501, %swap3A_502] : memref<128x16x2048xf32, #tpu.memory_space<vmem>>, vector<1x16x2048xf32>
    %swap3A_504 = vector.shape_cast %swap3A_503 : vector<1x16x2048xf32> to vector<16x2048xf32>
    %swap3A_505 = vector.shape_cast %slice3A_499 : vector<16x2048xf32> to vector<1x16x2048xf32>
    tpu.vector_store %arg2[%swap3A_500, %swap3A_501, %swap3A_502], %swap3A_505 {strides = array<i32>} : memref<128x16x2048xf32, #tpu.memory_space<vmem>>, vector<1x16x2048xf32>,
    %roll3A_506 = arith.constant 2105 : i32
    %roll3A_507 = tpu.dynamic_rotate %get3A_4 by %roll3A_506 dim 1 : vector<16x2176xf32>, i32 -> vector<16x2176xf32>
    %slice3A_508 = vector.extract_strided_slice %roll3A_507 {offsets = [0, 0], sizes = [16, 2048], strides = [1, 1]} : vector<16x2176xf32> to vector<16x2048xf32>
    %swap3A_509 = arith.constant 56 : index
    %swap3A_510 = arith.constant 0 : index
    %swap3A_511 = arith.constant 0 : index
    %swap3A_512 = vector.load %arg2[%swap3A_509, %swap3A_510, %swap3A_511] : memref<128x16x2048xf32, #tpu.memory_space<vmem>>, vector<1x16x2048xf32>
    %swap3A_513 = vector.shape_cast %swap3A_512 : vector<1x16x2048xf32> to vector<16x2048xf32>
    %swap3A_514 = vector.shape_cast %slice3A_508 : vector<16x2048xf32> to vector<1x16x2048xf32>
    tpu.vector_store %arg2[%swap3A_509, %swap3A_510, %swap3A_511], %swap3A_514 {strides = array<i32>} : memref<128x16x2048xf32, #tpu.memory_space<vmem>>, vector<1x16x2048xf32>,
    %roll3A_515 = arith.constant 2106 : i32
    %roll3A_516 = tpu.dynamic_rotate %get3A_4 by %roll3A_515 dim 1 : vector<16x2176xf32>, i32 -> vector<16x2176xf32>
    %slice3A_517 = vector.extract_strided_slice %roll3A_516 {offsets = [0, 0], sizes = [16, 2048], strides = [1, 1]} : vector<16x2176xf32> to vector<16x2048xf32>
    %swap3A_518 = arith.constant 57 : index
    %swap3A_519 = arith.constant 0 : index
    %swap3A_520 = arith.constant 0 : index
    %swap3A_521 = vector.load %arg2[%swap3A_518, %swap3A_519, %swap3A_520] : memref<128x16x2048xf32, #tpu.memory_space<vmem>>, vector<1x16x2048xf32>
    %swap3A_522 = vector.shape_cast %swap3A_521 : vector<1x16x2048xf32> to vector<16x2048xf32>
    %swap3A_523 = vector.shape_cast %slice3A_517 : vector<16x2048xf32> to vector<1x16x2048xf32>
    tpu.vector_store %arg2[%swap3A_518, %swap3A_519, %swap3A_520], %swap3A_523 {strides = array<i32>} : memref<128x16x2048xf32, #tpu.memory_space<vmem>>, vector<1x16x2048xf32>,
    %roll3A_524 = arith.constant 2107 : i32
    %roll3A_525 = tpu.dynamic_rotate %get3A_4 by %roll3A_524 dim 1 : vector<16x2176xf32>, i32 -> vector<16x2176xf32>
    %slice3A_526 = vector.extract_strided_slice %roll3A_525 {offsets = [0, 0], sizes = [16, 2048], strides = [1, 1]} : vector<16x2176xf32> to vector<16x2048xf32>
    %swap3A_527 = arith.constant 58 : index
    %swap3A_528 = arith.constant 0 : index
    %swap3A_529 = arith.constant 0 : index
    %swap3A_530 = vector.load %arg2[%swap3A_527, %swap3A_528, %swap3A_529] : memref<128x16x2048xf32, #tpu.memory_space<vmem>>, vector<1x16x2048xf32>
    %swap3A_531 = vector.shape_cast %swap3A_530 : vector<1x16x2048xf32> to vector<16x2048xf32>
    %swap3A_532 = vector.shape_cast %slice3A_526 : vector<16x2048xf32> to vector<1x16x2048xf32>
    tpu.vector_store %arg2[%swap3A_527, %swap3A_528, %swap3A_529], %swap3A_532 {strides = array<i32>} : memref<128x16x2048xf32, #tpu.memory_space<vmem>>, vector<1x16x2048xf32>,
    %roll3A_533 = arith.constant 2108 : i32
    %roll3A_534 = tpu.dynamic_rotate %get3A_4 by %roll3A_533 dim 1 : vector<16x2176xf32>, i32 -> vector<16x2176xf32>
    %slice3A_535 = vector.extract_strided_slice %roll3A_534 {offsets = [0, 0], sizes = [16, 2048], strides = [1, 1]} : vector<16x2176xf32> to vector<16x2048xf32>
    %swap3A_536 = arith.constant 59 : index
    %swap3A_537 = arith.constant 0 : index
    %swap3A_538 = arith.constant 0 : index
    %swap3A_539 = vector.load %arg2[%swap3A_536, %swap3A_537, %swap3A_538] : memref<128x16x2048xf32, #tpu.memory_space<vmem>>, vector<1x16x2048xf32>
    %swap3A_540 = vector.shape_cast %swap3A_539 : vector<1x16x2048xf32> to vector<16x2048xf32>
    %swap3A_541 = vector.shape_cast %slice3A_535 : vector<16x2048xf32> to vector<1x16x2048xf32>
    tpu.vector_store %arg2[%swap3A_536, %swap3A_537, %swap3A_538], %swap3A_541 {strides = array<i32>} : memref<128x16x2048xf32, #tpu.memory_space<vmem>>, vector<1x16x2048xf32>,
    %roll3A_542 = arith.constant 2109 : i32
    %roll3A_543 = tpu.dynamic_rotate %get3A_4 by %roll3A_542 dim 1 : vector<16x2176xf32>, i32 -> vector<16x2176xf32>
    %slice3A_544 = vector.extract_strided_slice %roll3A_543 {offsets = [0, 0], sizes = [16, 2048], strides = [1, 1]} : vector<16x2176xf32> to vector<16x2048xf32>
    %swap3A_545 = arith.constant 60 : index
    %swap3A_546 = arith.constant 0 : index
    %swap3A_547 = arith.constant 0 : index
    %swap3A_548 = vector.load %arg2[%swap3A_545, %swap3A_546, %swap3A_547] : memref<128x16x2048xf32, #tpu.memory_space<vmem>>, vector<1x16x2048xf32>
    %swap3A_549 = vector.shape_cast %swap3A_548 : vector<1x16x2048xf32> to vector<16x2048xf32>
    %swap3A_550 = vector.shape_cast %slice3A_544 : vector<16x2048xf32> to vector<1x16x2048xf32>
    tpu.vector_store %arg2[%swap3A_545, %swap3A_546, %swap3A_547], %swap3A_550 {strides = array<i32>} : memref<128x16x2048xf32, #tpu.memory_space<vmem>>, vector<1x16x2048xf32>,
    %roll3A_551 = arith.constant 2110 : i32
    %roll3A_552 = tpu.dynamic_rotate %get3A_4 by %roll3A_551 dim 1 : vector<16x2176xf32>, i32 -> vector<16x2176xf32>
    %slice3A_553 = vector.extract_strided_slice %roll3A_552 {offsets = [0, 0], sizes = [16, 2048], strides = [1, 1]} : vector<16x2176xf32> to vector<16x2048xf32>
    %swap3A_554 = arith.constant 61 : index
    %swap3A_555 = arith.constant 0 : index
    %swap3A_556 = arith.constant 0 : index
    %swap3A_557 = vector.load %arg2[%swap3A_554, %swap3A_555, %swap3A_556] : memref<128x16x2048xf32, #tpu.memory_space<vmem>>, vector<1x16x2048xf32>
    %swap3A_558 = vector.shape_cast %swap3A_557 : vector<1x16x2048xf32> to vector<16x2048xf32>
    %swap3A_559 = vector.shape_cast %slice3A_553 : vector<16x2048xf32> to vector<1x16x2048xf32>
    tpu.vector_store %arg2[%swap3A_554, %swap3A_555, %swap3A_556], %swap3A_559 {strides = array<i32>} : memref<128x16x2048xf32, #tpu.memory_space<vmem>>, vector<1x16x2048xf32>,
    %roll3A_560 = arith.constant 2111 : i32
    %roll3A_561 = tpu.dynamic_rotate %get3A_4 by %roll3A_560 dim 1 : vector<16x2176xf32>, i32 -> vector<16x2176xf32>
    %slice3A_562 = vector.extract_strided_slice %roll3A_561 {offsets = [0, 0], sizes = [16, 2048], strides = [1, 1]} : vector<16x2176xf32> to vector<16x2048xf32>
    %swap3A_563 = arith.constant 62 : index
    %swap3A_564 = arith.constant 0 : index
    %swap3A_565 = arith.constant 0 : index
    %swap3A_566 = vector.load %arg2[%swap3A_563, %swap3A_564, %swap3A_565] : memref<128x16x2048xf32, #tpu.memory_space<vmem>>, vector<1x16x2048xf32>
    %swap3A_567 = vector.shape_cast %swap3A_566 : vector<1x16x2048xf32> to vector<16x2048xf32>
    %swap3A_568 = vector.shape_cast %slice3A_562 : vector<16x2048xf32> to vector<1x16x2048xf32>
    tpu.vector_store %arg2[%swap3A_563, %swap3A_564, %swap3A_565], %swap3A_568 {strides = array<i32>} : memref<128x16x2048xf32, #tpu.memory_space<vmem>>, vector<1x16x2048xf32>,
    %roll3A_569 = arith.constant 2112 : i32
    %roll3A_570 = tpu.dynamic_rotate %get3A_4 by %roll3A_569 dim 1 : vector<16x2176xf32>, i32 -> vector<16x2176xf32>
    %slice3A_571 = vector.extract_strided_slice %roll3A_570 {offsets = [0, 0], sizes = [16, 2048], strides = [1, 1]} : vector<16x2176xf32> to vector<16x2048xf32>
    %swap3A_572 = arith.constant 63 : index
    %swap3A_573 = arith.constant 0 : index
    %swap3A_574 = arith.constant 0 : index
    %swap3A_575 = vector.load %arg2[%swap3A_572, %swap3A_573, %swap3A_574] : memref<128x16x2048xf32, #tpu.memory_space<vmem>>, vector<1x16x2048xf32>
    %swap3A_576 = vector.shape_cast %swap3A_575 : vector<1x16x2048xf32> to vector<16x2048xf32>
    %swap3A_577 = vector.shape_cast %slice3A_571 : vector<16x2048xf32> to vector<1x16x2048xf32>
    tpu.vector_store %arg2[%swap3A_572, %swap3A_573, %swap3A_574], %swap3A_577 {strides = array<i32>} : memref<128x16x2048xf32, #tpu.memory_space<vmem>>, vector<1x16x2048xf32>,
    %roll3A_578 = arith.constant 2113 : i32
    %roll3A_579 = tpu.dynamic_rotate %get3A_4 by %roll3A_578 dim 1 : vector<16x2176xf32>, i32 -> vector<16x2176xf32>
    %slice3A_580 = vector.extract_strided_slice %roll3A_579 {offsets = [0, 0], sizes = [16, 2048], strides = [1, 1]} : vector<16x2176xf32> to vector<16x2048xf32>
    %swap3A_581 = arith.constant 64 : index
    %swap3A_582 = arith.constant 0 : index
    %swap3A_583 = arith.constant 0 : index
    %swap3A_584 = vector.load %arg2[%swap3A_581, %swap3A_582, %swap3A_583] : memref<128x16x2048xf32, #tpu.memory_space<vmem>>, vector<1x16x2048xf32>
    %swap3A_585 = vector.shape_cast %swap3A_584 : vector<1x16x2048xf32> to vector<16x2048xf32>
    %swap3A_586 = vector.shape_cast %slice3A_580 : vector<16x2048xf32> to vector<1x16x2048xf32>
    tpu.vector_store %arg2[%swap3A_581, %swap3A_582, %swap3A_583], %swap3A_586 {strides = array<i32>} : memref<128x16x2048xf32, #tpu.memory_space<vmem>>, vector<1x16x2048xf32>,
    %roll3A_587 = arith.constant 2114 : i32
    %roll3A_588 = tpu.dynamic_rotate %get3A_4 by %roll3A_587 dim 1 : vector<16x2176xf32>, i32 -> vector<16x2176xf32>
    %slice3A_589 = vector.extract_strided_slice %roll3A_588 {offsets = [0, 0], sizes = [16, 2048], strides = [1, 1]} : vector<16x2176xf32> to vector<16x2048xf32>
    %swap3A_590 = arith.constant 65 : index
    %swap3A_591 = arith.constant 0 : index
    %swap3A_592 = arith.constant 0 : index
    %swap3A_593 = vector.load %arg2[%swap3A_590, %swap3A_591, %swap3A_592] : memref<128x16x2048xf32, #tpu.memory_space<vmem>>, vector<1x16x2048xf32>
    %swap3A_594 = vector.shape_cast %swap3A_593 : vector<1x16x2048xf32> to vector<16x2048xf32>
    %swap3A_595 = vector.shape_cast %slice3A_589 : vector<16x2048xf32> to vector<1x16x2048xf32>
    tpu.vector_store %arg2[%swap3A_590, %swap3A_591, %swap3A_592], %swap3A_595 {strides = array<i32>} : memref<128x16x2048xf32, #tpu.memory_space<vmem>>, vector<1x16x2048xf32>,
    %roll3A_596 = arith.constant 2115 : i32
    %roll3A_597 = tpu.dynamic_rotate %get3A_4 by %roll3A_596 dim 1 : vector<16x2176xf32>, i32 -> vector<16x2176xf32>
    %slice3A_598 = vector.extract_strided_slice %roll3A_597 {offsets = [0, 0], sizes = [16, 2048], strides = [1, 1]} : vector<16x2176xf32> to vector<16x2048xf32>
    %swap3A_599 = arith.constant 66 : index
    %swap3A_600 = arith.constant 0 : index
    %swap3A_601 = arith.constant 0 : index
    %swap3A_602 = vector.load %arg2[%swap3A_599, %swap3A_600, %swap3A_601] : memref<128x16x2048xf32, #tpu.memory_space<vmem>>, vector<1x16x2048xf32>
    %swap3A_603 = vector.shape_cast %swap3A_602 : vector<1x16x2048xf32> to vector<16x2048xf32>
    %swap3A_604 = vector.shape_cast %slice3A_598 : vector<16x2048xf32> to vector<1x16x2048xf32>
    tpu.vector_store %arg2[%swap3A_599, %swap3A_600, %swap3A_601], %swap3A_604 {strides = array<i32>} : memref<128x16x2048xf32, #tpu.memory_space<vmem>>, vector<1x16x2048xf32>,
    %roll3A_605 = arith.constant 2116 : i32
    %roll3A_606 = tpu.dynamic_rotate %get3A_4 by %roll3A_605 dim 1 : vector<16x2176xf32>, i32 -> vector<16x2176xf32>
    %slice3A_607 = vector.extract_strided_slice %roll3A_606 {offsets = [0, 0], sizes = [16, 2048], strides = [1, 1]} : vector<16x2176xf32> to vector<16x2048xf32>
    %swap3A_608 = arith.constant 67 : index
    %swap3A_609 = arith.constant 0 : index
    %swap3A_610 = arith.constant 0 : index
    %swap3A_611 = vector.load %arg2[%swap3A_608, %swap3A_609, %swap3A_610] : memref<128x16x2048xf32, #tpu.memory_space<vmem>>, vector<1x16x2048xf32>
    %swap3A_612 = vector.shape_cast %swap3A_611 : vector<1x16x2048xf32> to vector<16x2048xf32>
    %swap3A_613 = vector.shape_cast %slice3A_607 : vector<16x2048xf32> to vector<1x16x2048xf32>
    tpu.vector_store %arg2[%swap3A_608, %swap3A_609, %swap3A_610], %swap3A_613 {strides = array<i32>} : memref<128x16x2048xf32, #tpu.memory_space<vmem>>, vector<1x16x2048xf32>,
    %roll3A_614 = arith.constant 2117 : i32
    %roll3A_615 = tpu.dynamic_rotate %get3A_4 by %roll3A_614 dim 1 : vector<16x2176xf32>, i32 -> vector<16x2176xf32>
    %slice3A_616 = vector.extract_strided_slice %roll3A_615 {offsets = [0, 0], sizes = [16, 2048], strides = [1, 1]} : vector<16x2176xf32> to vector<16x2048xf32>
    %swap3A_617 = arith.constant 68 : index
    %swap3A_618 = arith.constant 0 : index
    %swap3A_619 = arith.constant 0 : index
    %swap3A_620 = vector.load %arg2[%swap3A_617, %swap3A_618, %swap3A_619] : memref<128x16x2048xf32, #tpu.memory_space<vmem>>, vector<1x16x2048xf32>
    %swap3A_621 = vector.shape_cast %swap3A_620 : vector<1x16x2048xf32> to vector<16x2048xf32>
    %swap3A_622 = vector.shape_cast %slice3A_616 : vector<16x2048xf32> to vector<1x16x2048xf32>
    tpu.vector_store %arg2[%swap3A_617, %swap3A_618, %swap3A_619], %swap3A_622 {strides = array<i32>} : memref<128x16x2048xf32, #tpu.memory_space<vmem>>, vector<1x16x2048xf32>,
    %roll3A_623 = arith.constant 2118 : i32
    %roll3A_624 = tpu.dynamic_rotate %get3A_4 by %roll3A_623 dim 1 : vector<16x2176xf32>, i32 -> vector<16x2176xf32>
    %slice3A_625 = vector.extract_strided_slice %roll3A_624 {offsets = [0, 0], sizes = [16, 2048], strides = [1, 1]} : vector<16x2176xf32> to vector<16x2048xf32>
    %swap3A_626 = arith.constant 69 : index
    %swap3A_627 = arith.constant 0 : index
    %swap3A_628 = arith.constant 0 : index
    %swap3A_629 = vector.load %arg2[%swap3A_626, %swap3A_627, %swap3A_628] : memref<128x16x2048xf32, #tpu.memory_space<vmem>>, vector<1x16x2048xf32>
    %swap3A_630 = vector.shape_cast %swap3A_629 : vector<1x16x2048xf32> to vector<16x2048xf32>
    %swap3A_631 = vector.shape_cast %slice3A_625 : vector<16x2048xf32> to vector<1x16x2048xf32>
    tpu.vector_store %arg2[%swap3A_626, %swap3A_627, %swap3A_628], %swap3A_631 {strides = array<i32>} : memref<128x16x2048xf32, #tpu.memory_space<vmem>>, vector<1x16x2048xf32>,
    %roll3A_632 = arith.constant 2119 : i32
    %roll3A_633 = tpu.dynamic_rotate %get3A_4 by %roll3A_632 dim 1 : vector<16x2176xf32>, i32 -> vector<16x2176xf32>
    %slice3A_634 = vector.extract_strided_slice %roll3A_633 {offsets = [0, 0], sizes = [16, 2048], strides = [1, 1]} : vector<16x2176xf32> to vector<16x2048xf32>
    %swap3A_635 = arith.constant 70 : index
    %swap3A_636 = arith.constant 0 : index
    %swap3A_637 = arith.constant 0 : index
    %swap3A_638 = vector.load %arg2[%swap3A_635, %swap3A_636, %swap3A_637] : memref<128x16x2048xf32, #tpu.memory_space<vmem>>, vector<1x16x2048xf32>
    %swap3A_639 = vector.shape_cast %swap3A_638 : vector<1x16x2048xf32> to vector<16x2048xf32>
    %swap3A_640 = vector.shape_cast %slice3A_634 : vector<16x2048xf32> to vector<1x16x2048xf32>
    tpu.vector_store %arg2[%swap3A_635, %swap3A_636, %swap3A_637], %swap3A_640 {strides = array<i32>} : memref<128x16x2048xf32, #tpu.memory_space<vmem>>, vector<1x16x2048xf32>,
    %roll3A_641 = arith.constant 2120 : i32
    %roll3A_642 = tpu.dynamic_rotate %get3A_4 by %roll3A_641 dim 1 : vector<16x2176xf32>, i32 -> vector<16x2176xf32>
    %slice3A_643 = vector.extract_strided_slice %roll3A_642 {offsets = [0, 0], sizes = [16, 2048], strides = [1, 1]} : vector<16x2176xf32> to vector<16x2048xf32>
    %swap3A_644 = arith.constant 71 : index
    %swap3A_645 = arith.constant 0 : index
    %swap3A_646 = arith.constant 0 : index
    %swap3A_647 = vector.load %arg2[%swap3A_644, %swap3A_645, %swap3A_646] : memref<128x16x2048xf32, #tpu.memory_space<vmem>>, vector<1x16x2048xf32>
    %swap3A_648 = vector.shape_cast %swap3A_647 : vector<1x16x2048xf32> to vector<16x2048xf32>
    %swap3A_649 = vector.shape_cast %slice3A_643 : vector<16x2048xf32> to vector<1x16x2048xf32>
    tpu.vector_store %arg2[%swap3A_644, %swap3A_645, %swap3A_646], %swap3A_649 {strides = array<i32>} : memref<128x16x2048xf32, #tpu.memory_space<vmem>>, vector<1x16x2048xf32>,
    %roll3A_650 = arith.constant 2121 : i32
    %roll3A_651 = tpu.dynamic_rotate %get3A_4 by %roll3A_650 dim 1 : vector<16x2176xf32>, i32 -> vector<16x2176xf32>
    %slice3A_652 = vector.extract_strided_slice %roll3A_651 {offsets = [0, 0], sizes = [16, 2048], strides = [1, 1]} : vector<16x2176xf32> to vector<16x2048xf32>
    %swap3A_653 = arith.constant 72 : index
    %swap3A_654 = arith.constant 0 : index
    %swap3A_655 = arith.constant 0 : index
    %swap3A_656 = vector.load %arg2[%swap3A_653, %swap3A_654, %swap3A_655] : memref<128x16x2048xf32, #tpu.memory_space<vmem>>, vector<1x16x2048xf32>
    %swap3A_657 = vector.shape_cast %swap3A_656 : vector<1x16x2048xf32> to vector<16x2048xf32>
    %swap3A_658 = vector.shape_cast %slice3A_652 : vector<16x2048xf32> to vector<1x16x2048xf32>
    tpu.vector_store %arg2[%swap3A_653, %swap3A_654, %swap3A_655], %swap3A_658 {strides = array<i32>} : memref<128x16x2048xf32, #tpu.memory_space<vmem>>, vector<1x16x2048xf32>,
    %roll3A_659 = arith.constant 2122 : i32
    %roll3A_660 = tpu.dynamic_rotate %get3A_4 by %roll3A_659 dim 1 : vector<16x2176xf32>, i32 -> vector<16x2176xf32>
    %slice3A_661 = vector.extract_strided_slice %roll3A_660 {offsets = [0, 0], sizes = [16, 2048], strides = [1, 1]} : vector<16x2176xf32> to vector<16x2048xf32>
    %swap3A_662 = arith.constant 73 : index
    %swap3A_663 = arith.constant 0 : index
    %swap3A_664 = arith.constant 0 : index
    %swap3A_665 = vector.load %arg2[%swap3A_662, %swap3A_663, %swap3A_664] : memref<128x16x2048xf32, #tpu.memory_space<vmem>>, vector<1x16x2048xf32>
    %swap3A_666 = vector.shape_cast %swap3A_665 : vector<1x16x2048xf32> to vector<16x2048xf32>
    %swap3A_667 = vector.shape_cast %slice3A_661 : vector<16x2048xf32> to vector<1x16x2048xf32>
    tpu.vector_store %arg2[%swap3A_662, %swap3A_663, %swap3A_664], %swap3A_667 {strides = array<i32>} : memref<128x16x2048xf32, #tpu.memory_space<vmem>>, vector<1x16x2048xf32>,
    %roll3A_668 = arith.constant 2123 : i32
    %roll3A_669 = tpu.dynamic_rotate %get3A_4 by %roll3A_668 dim 1 : vector<16x2176xf32>, i32 -> vector<16x2176xf32>
    %slice3A_670 = vector.extract_strided_slice %roll3A_669 {offsets = [0, 0], sizes = [16, 2048], strides = [1, 1]} : vector<16x2176xf32> to vector<16x2048xf32>
    %swap3A_671 = arith.constant 74 : index
    %swap3A_672 = arith.constant 0 : index
    %swap3A_673 = arith.constant 0 : index
    %swap3A_674 = vector.load %arg2[%swap3A_671, %swap3A_672, %swap3A_673] : memref<128x16x2048xf32, #tpu.memory_space<vmem>>, vector<1x16x2048xf32>
    %swap3A_675 = vector.shape_cast %swap3A_674 : vector<1x16x2048xf32> to vector<16x2048xf32>
    %swap3A_676 = vector.shape_cast %slice3A_670 : vector<16x2048xf32> to vector<1x16x2048xf32>
    tpu.vector_store %arg2[%swap3A_671, %swap3A_672, %swap3A_673], %swap3A_676 {strides = array<i32>} : memref<128x16x2048xf32, #tpu.memory_space<vmem>>, vector<1x16x2048xf32>,
    %roll3A_677 = arith.constant 2124 : i32
    %roll3A_678 = tpu.dynamic_rotate %get3A_4 by %roll3A_677 dim 1 : vector<16x2176xf32>, i32 -> vector<16x2176xf32>
    %slice3A_679 = vector.extract_strided_slice %roll3A_678 {offsets = [0, 0], sizes = [16, 2048], strides = [1, 1]} : vector<16x2176xf32> to vector<16x2048xf32>
    %swap3A_680 = arith.constant 75 : index
    %swap3A_681 = arith.constant 0 : index
    %swap3A_682 = arith.constant 0 : index
    %swap3A_683 = vector.load %arg2[%swap3A_680, %swap3A_681, %swap3A_682] : memref<128x16x2048xf32, #tpu.memory_space<vmem>>, vector<1x16x2048xf32>
    %swap3A_684 = vector.shape_cast %swap3A_683 : vector<1x16x2048xf32> to vector<16x2048xf32>
    %swap3A_685 = vector.shape_cast %slice3A_679 : vector<16x2048xf32> to vector<1x16x2048xf32>
    tpu.vector_store %arg2[%swap3A_680, %swap3A_681, %swap3A_682], %swap3A_685 {strides = array<i32>} : memref<128x16x2048xf32, #tpu.memory_space<vmem>>, vector<1x16x2048xf32>,
    %roll3A_686 = arith.constant 2125 : i32
    %roll3A_687 = tpu.dynamic_rotate %get3A_4 by %roll3A_686 dim 1 : vector<16x2176xf32>, i32 -> vector<16x2176xf32>
    %slice3A_688 = vector.extract_strided_slice %roll3A_687 {offsets = [0, 0], sizes = [16, 2048], strides = [1, 1]} : vector<16x2176xf32> to vector<16x2048xf32>
    %swap3A_689 = arith.constant 76 : index
    %swap3A_690 = arith.constant 0 : index
    %swap3A_691 = arith.constant 0 : index
    %swap3A_692 = vector.load %arg2[%swap3A_689, %swap3A_690, %swap3A_691] : memref<128x16x2048xf32, #tpu.memory_space<vmem>>, vector<1x16x2048xf32>
    %swap3A_693 = vector.shape_cast %swap3A_692 : vector<1x16x2048xf32> to vector<16x2048xf32>
    %swap3A_694 = vector.shape_cast %slice3A_688 : vector<16x2048xf32> to vector<1x16x2048xf32>
    tpu.vector_store %arg2[%swap3A_689, %swap3A_690, %swap3A_691], %swap3A_694 {strides = array<i32>} : memref<128x16x2048xf32, #tpu.memory_space<vmem>>, vector<1x16x2048xf32>,
    %roll3A_695 = arith.constant 2126 : i32
    %roll3A_696 = tpu.dynamic_rotate %get3A_4 by %roll3A_695 dim 1 : vector<16x2176xf32>, i32 -> vector<16x2176xf32>
    %slice3A_697 = vector.extract_strided_slice %roll3A_696 {offsets = [0, 0], sizes = [16, 2048], strides = [1, 1]} : vector<16x2176xf32> to vector<16x2048xf32>
    %swap3A_698 = arith.constant 77 : index
    %swap3A_699 = arith.constant 0 : index
    %swap3A_700 = arith.constant 0 : index
    %swap3A_701 = vector.load %arg2[%swap3A_698, %swap3A_699, %swap3A_700] : memref<128x16x2048xf32, #tpu.memory_space<vmem>>, vector<1x16x2048xf32>
    %swap3A_702 = vector.shape_cast %swap3A_701 : vector<1x16x2048xf32> to vector<16x2048xf32>
    %swap3A_703 = vector.shape_cast %slice3A_697 : vector<16x2048xf32> to vector<1x16x2048xf32>
    tpu.vector_store %arg2[%swap3A_698, %swap3A_699, %swap3A_700], %swap3A_703 {strides = array<i32>} : memref<128x16x2048xf32, #tpu.memory_space<vmem>>, vector<1x16x2048xf32>,
    %roll3A_704 = arith.constant 2127 : i32
    %roll3A_705 = tpu.dynamic_rotate %get3A_4 by %roll3A_704 dim 1 : vector<16x2176xf32>, i32 -> vector<16x2176xf32>
    %slice3A_706 = vector.extract_strided_slice %roll3A_705 {offsets = [0, 0], sizes = [16, 2048], strides = [1, 1]} : vector<16x2176xf32> to vector<16x2048xf32>
    %swap3A_707 = arith.constant 78 : index
    %swap3A_708 = arith.constant 0 : index
    %swap3A_709 = arith.constant 0 : index
    %swap3A_710 = vector.load %arg2[%swap3A_707, %swap3A_708, %swap3A_709] : memref<128x16x2048xf32, #tpu.memory_space<vmem>>, vector<1x16x2048xf32>
    %swap3A_711 = vector.shape_cast %swap3A_710 : vector<1x16x2048xf32> to vector<16x2048xf32>
    %swap3A_712 = vector.shape_cast %slice3A_706 : vector<16x2048xf32> to vector<1x16x2048xf32>
    tpu.vector_store %arg2[%swap3A_707, %swap3A_708, %swap3A_709], %swap3A_712 {strides = array<i32>} : memref<128x16x2048xf32, #tpu.memory_space<vmem>>, vector<1x16x2048xf32>,
    %roll3A_713 = arith.constant 2128 : i32
    %roll3A_714 = tpu.dynamic_rotate %get3A_4 by %roll3A_713 dim 1 : vector<16x2176xf32>, i32 -> vector<16x2176xf32>
    %slice3A_715 = vector.extract_strided_slice %roll3A_714 {offsets = [0, 0], sizes = [16, 2048], strides = [1, 1]} : vector<16x2176xf32> to vector<16x2048xf32>
    %swap3A_716 = arith.constant 79 : index
    %swap3A_717 = arith.constant 0 : index
    %swap3A_718 = arith.constant 0 : index
    %swap3A_719 = vector.load %arg2[%swap3A_716, %swap3A_717, %swap3A_718] : memref<128x16x2048xf32, #tpu.memory_space<vmem>>, vector<1x16x2048xf32>
    %swap3A_720 = vector.shape_cast %swap3A_719 : vector<1x16x2048xf32> to vector<16x2048xf32>
    %swap3A_721 = vector.shape_cast %slice3A_715 : vector<16x2048xf32> to vector<1x16x2048xf32>
    tpu.vector_store %arg2[%swap3A_716, %swap3A_717, %swap3A_718], %swap3A_721 {strides = array<i32>} : memref<128x16x2048xf32, #tpu.memory_space<vmem>>, vector<1x16x2048xf32>,
    %roll3A_722 = arith.constant 2129 : i32
    %roll3A_723 = tpu.dynamic_rotate %get3A_4 by %roll3A_722 dim 1 : vector<16x2176xf32>, i32 -> vector<16x2176xf32>
    %slice3A_724 = vector.extract_strided_slice %roll3A_723 {offsets = [0, 0], sizes = [16, 2048], strides = [1, 1]} : vector<16x2176xf32> to vector<16x2048xf32>
    %swap3A_725 = arith.constant 80 : index
    %swap3A_726 = arith.constant 0 : index
    %swap3A_727 = arith.constant 0 : index
    %swap3A_728 = vector.load %arg2[%swap3A_725, %swap3A_726, %swap3A_727] : memref<128x16x2048xf32, #tpu.memory_space<vmem>>, vector<1x16x2048xf32>
    %swap3A_729 = vector.shape_cast %swap3A_728 : vector<1x16x2048xf32> to vector<16x2048xf32>
    %swap3A_730 = vector.shape_cast %slice3A_724 : vector<16x2048xf32> to vector<1x16x2048xf32>
    tpu.vector_store %arg2[%swap3A_725, %swap3A_726, %swap3A_727], %swap3A_730 {strides = array<i32>} : memref<128x16x2048xf32, #tpu.memory_space<vmem>>, vector<1x16x2048xf32>,
    %roll3A_731 = arith.constant 2130 : i32
    %roll3A_732 = tpu.dynamic_rotate %get3A_4 by %roll3A_731 dim 1 : vector<16x2176xf32>, i32 -> vector<16x2176xf32>
    %slice3A_733 = vector.extract_strided_slice %roll3A_732 {offsets = [0, 0], sizes = [16, 2048], strides = [1, 1]} : vector<16x2176xf32> to vector<16x2048xf32>
    %swap3A_734 = arith.constant 81 : index
    %swap3A_735 = arith.constant 0 : index
    %swap3A_736 = arith.constant 0 : index
    %swap3A_737 = vector.load %arg2[%swap3A_734, %swap3A_735, %swap3A_736] : memref<128x16x2048xf32, #tpu.memory_space<vmem>>, vector<1x16x2048xf32>
    %swap3A_738 = vector.shape_cast %swap3A_737 : vector<1x16x2048xf32> to vector<16x2048xf32>
    %swap3A_739 = vector.shape_cast %slice3A_733 : vector<16x2048xf32> to vector<1x16x2048xf32>
    tpu.vector_store %arg2[%swap3A_734, %swap3A_735, %swap3A_736], %swap3A_739 {strides = array<i32>} : memref<128x16x2048xf32, #tpu.memory_space<vmem>>, vector<1x16x2048xf32>,
    %roll3A_740 = arith.constant 2131 : i32
    %roll3A_741 = tpu.dynamic_rotate %get3A_4 by %roll3A_740 dim 1 : vector<16x2176xf32>, i32 -> vector<16x2176xf32>
    %slice3A_742 = vector.extract_strided_slice %roll3A_741 {offsets = [0, 0], sizes = [16, 2048], strides = [1, 1]} : vector<16x2176xf32> to vector<16x2048xf32>
    %swap3A_743 = arith.constant 82 : index
    %swap3A_744 = arith.constant 0 : index
    %swap3A_745 = arith.constant 0 : index
    %swap3A_746 = vector.load %arg2[%swap3A_743, %swap3A_744, %swap3A_745] : memref<128x16x2048xf32, #tpu.memory_space<vmem>>, vector<1x16x2048xf32>
    %swap3A_747 = vector.shape_cast %swap3A_746 : vector<1x16x2048xf32> to vector<16x2048xf32>
    %swap3A_748 = vector.shape_cast %slice3A_742 : vector<16x2048xf32> to vector<1x16x2048xf32>
    tpu.vector_store %arg2[%swap3A_743, %swap3A_744, %swap3A_745], %swap3A_748 {strides = array<i32>} : memref<128x16x2048xf32, #tpu.memory_space<vmem>>, vector<1x16x2048xf32>,
    %roll3A_749 = arith.constant 2132 : i32
    %roll3A_750 = tpu.dynamic_rotate %get3A_4 by %roll3A_749 dim 1 : vector<16x2176xf32>, i32 -> vector<16x2176xf32>
    %slice3A_751 = vector.extract_strided_slice %roll3A_750 {offsets = [0, 0], sizes = [16, 2048], strides = [1, 1]} : vector<16x2176xf32> to vector<16x2048xf32>
    %swap3A_752 = arith.constant 83 : index
    %swap3A_753 = arith.constant 0 : index
    %swap3A_754 = arith.constant 0 : index
    %swap3A_755 = vector.load %arg2[%swap3A_752, %swap3A_753, %swap3A_754] : memref<128x16x2048xf32, #tpu.memory_space<vmem>>, vector<1x16x2048xf32>
    %swap3A_756 = vector.shape_cast %swap3A_755 : vector<1x16x2048xf32> to vector<16x2048xf32>
    %swap3A_757 = vector.shape_cast %slice3A_751 : vector<16x2048xf32> to vector<1x16x2048xf32>
    tpu.vector_store %arg2[%swap3A_752, %swap3A_753, %swap3A_754], %swap3A_757 {strides = array<i32>} : memref<128x16x2048xf32, #tpu.memory_space<vmem>>, vector<1x16x2048xf32>,
    %roll3A_758 = arith.constant 2133 : i32
    %roll3A_759 = tpu.dynamic_rotate %get3A_4 by %roll3A_758 dim 1 : vector<16x2176xf32>, i32 -> vector<16x2176xf32>
    %slice3A_760 = vector.extract_strided_slice %roll3A_759 {offsets = [0, 0], sizes = [16, 2048], strides = [1, 1]} : vector<16x2176xf32> to vector<16x2048xf32>
    %swap3A_761 = arith.constant 84 : index
    %swap3A_762 = arith.constant 0 : index
    %swap3A_763 = arith.constant 0 : index
    %swap3A_764 = vector.load %arg2[%swap3A_761, %swap3A_762, %swap3A_763] : memref<128x16x2048xf32, #tpu.memory_space<vmem>>, vector<1x16x2048xf32>
    %swap3A_765 = vector.shape_cast %swap3A_764 : vector<1x16x2048xf32> to vector<16x2048xf32>
    %swap3A_766 = vector.shape_cast %slice3A_760 : vector<16x2048xf32> to vector<1x16x2048xf32>
    tpu.vector_store %arg2[%swap3A_761, %swap3A_762, %swap3A_763], %swap3A_766 {strides = array<i32>} : memref<128x16x2048xf32, #tpu.memory_space<vmem>>, vector<1x16x2048xf32>,
    %roll3A_767 = arith.constant 2134 : i32
    %roll3A_768 = tpu.dynamic_rotate %get3A_4 by %roll3A_767 dim 1 : vector<16x2176xf32>, i32 -> vector<16x2176xf32>
    %slice3A_769 = vector.extract_strided_slice %roll3A_768 {offsets = [0, 0], sizes = [16, 2048], strides = [1, 1]} : vector<16x2176xf32> to vector<16x2048xf32>
    %swap3A_770 = arith.constant 85 : index
    %swap3A_771 = arith.constant 0 : index
    %swap3A_772 = arith.constant 0 : index
    %swap3A_773 = vector.load %arg2[%swap3A_770, %swap3A_771, %swap3A_772] : memref<128x16x2048xf32, #tpu.memory_space<vmem>>, vector<1x16x2048xf32>
    %swap3A_774 = vector.shape_cast %swap3A_773 : vector<1x16x2048xf32> to vector<16x2048xf32>
    %swap3A_775 = vector.shape_cast %slice3A_769 : vector<16x2048xf32> to vector<1x16x2048xf32>
    tpu.vector_store %arg2[%swap3A_770, %swap3A_771, %swap3A_772], %swap3A_775 {strides = array<i32>} : memref<128x16x2048xf32, #tpu.memory_space<vmem>>, vector<1x16x2048xf32>,
    %roll3A_776 = arith.constant 2135 : i32
    %roll3A_777 = tpu.dynamic_rotate %get3A_4 by %roll3A_776 dim 1 : vector<16x2176xf32>, i32 -> vector<16x2176xf32>
    %slice3A_778 = vector.extract_strided_slice %roll3A_777 {offsets = [0, 0], sizes = [16, 2048], strides = [1, 1]} : vector<16x2176xf32> to vector<16x2048xf32>
    %swap3A_779 = arith.constant 86 : index
    %swap3A_780 = arith.constant 0 : index
    %swap3A_781 = arith.constant 0 : index
    %swap3A_782 = vector.load %arg2[%swap3A_779, %swap3A_780, %swap3A_781] : memref<128x16x2048xf32, #tpu.memory_space<vmem>>, vector<1x16x2048xf32>
    %swap3A_783 = vector.shape_cast %swap3A_782 : vector<1x16x2048xf32> to vector<16x2048xf32>
    %swap3A_784 = vector.shape_cast %slice3A_778 : vector<16x2048xf32> to vector<1x16x2048xf32>
    tpu.vector_store %arg2[%swap3A_779, %swap3A_780, %swap3A_781], %swap3A_784 {strides = array<i32>} : memref<128x16x2048xf32, #tpu.memory_space<vmem>>, vector<1x16x2048xf32>,
    %roll3A_785 = arith.constant 2136 : i32
    %roll3A_786 = tpu.dynamic_rotate %get3A_4 by %roll3A_785 dim 1 : vector<16x2176xf32>, i32 -> vector<16x2176xf32>
    %slice3A_787 = vector.extract_strided_slice %roll3A_786 {offsets = [0, 0], sizes = [16, 2048], strides = [1, 1]} : vector<16x2176xf32> to vector<16x2048xf32>
    %swap3A_788 = arith.constant 87 : index
    %swap3A_789 = arith.constant 0 : index
    %swap3A_790 = arith.constant 0 : index
    %swap3A_791 = vector.load %arg2[%swap3A_788, %swap3A_789, %swap3A_790] : memref<128x16x2048xf32, #tpu.memory_space<vmem>>, vector<1x16x2048xf32>
    %swap3A_792 = vector.shape_cast %swap3A_791 : vector<1x16x2048xf32> to vector<16x2048xf32>
    %swap3A_793 = vector.shape_cast %slice3A_787 : vector<16x2048xf32> to vector<1x16x2048xf32>
    tpu.vector_store %arg2[%swap3A_788, %swap3A_789, %swap3A_790], %swap3A_793 {strides = array<i32>} : memref<128x16x2048xf32, #tpu.memory_space<vmem>>, vector<1x16x2048xf32>,
    %roll3A_794 = arith.constant 2137 : i32
    %roll3A_795 = tpu.dynamic_rotate %get3A_4 by %roll3A_794 dim 1 : vector<16x2176xf32>, i32 -> vector<16x2176xf32>
    %slice3A_796 = vector.extract_strided_slice %roll3A_795 {offsets = [0, 0], sizes = [16, 2048], strides = [1, 1]} : vector<16x2176xf32> to vector<16x2048xf32>
    %swap3A_797 = arith.constant 88 : index
    %swap3A_798 = arith.constant 0 : index
    %swap3A_799 = arith.constant 0 : index
    %swap3A_800 = vector.load %arg2[%swap3A_797, %swap3A_798, %swap3A_799] : memref<128x16x2048xf32, #tpu.memory_space<vmem>>, vector<1x16x2048xf32>
    %swap3A_801 = vector.shape_cast %swap3A_800 : vector<1x16x2048xf32> to vector<16x2048xf32>
    %swap3A_802 = vector.shape_cast %slice3A_796 : vector<16x2048xf32> to vector<1x16x2048xf32>
    tpu.vector_store %arg2[%swap3A_797, %swap3A_798, %swap3A_799], %swap3A_802 {strides = array<i32>} : memref<128x16x2048xf32, #tpu.memory_space<vmem>>, vector<1x16x2048xf32>,
    %roll3A_803 = arith.constant 2138 : i32
    %roll3A_804 = tpu.dynamic_rotate %get3A_4 by %roll3A_803 dim 1 : vector<16x2176xf32>, i32 -> vector<16x2176xf32>
    %slice3A_805 = vector.extract_strided_slice %roll3A_804 {offsets = [0, 0], sizes = [16, 2048], strides = [1, 1]} : vector<16x2176xf32> to vector<16x2048xf32>
    %swap3A_806 = arith.constant 89 : index
    %swap3A_807 = arith.constant 0 : index
    %swap3A_808 = arith.constant 0 : index
    %swap3A_809 = vector.load %arg2[%swap3A_806, %swap3A_807, %swap3A_808] : memref<128x16x2048xf32, #tpu.memory_space<vmem>>, vector<1x16x2048xf32>
    %swap3A_810 = vector.shape_cast %swap3A_809 : vector<1x16x2048xf32> to vector<16x2048xf32>
    %swap3A_811 = vector.shape_cast %slice3A_805 : vector<16x2048xf32> to vector<1x16x2048xf32>
    tpu.vector_store %arg2[%swap3A_806, %swap3A_807, %swap3A_808], %swap3A_811 {strides = array<i32>} : memref<128x16x2048xf32, #tpu.memory_space<vmem>>, vector<1x16x2048xf32>,
    %roll3A_812 = arith.constant 2139 : i32
    %roll3A_813 = tpu.dynamic_rotate %get3A_4 by %roll3A_812 dim 1 : vector<16x2176xf32>, i32 -> vector<16x2176xf32>
    %slice3A_814 = vector.extract_strided_slice %roll3A_813 {offsets = [0, 0], sizes = [16, 2048], strides = [1, 1]} : vector<16x2176xf32> to vector<16x2048xf32>
    %swap3A_815 = arith.constant 90 : index
    %swap3A_816 = arith.constant 0 : index
    %swap3A_817 = arith.constant 0 : index
    %swap3A_818 = vector.load %arg2[%swap3A_815, %swap3A_816, %swap3A_817] : memref<128x16x2048xf32, #tpu.memory_space<vmem>>, vector<1x16x2048xf32>
    %swap3A_819 = vector.shape_cast %swap3A_818 : vector<1x16x2048xf32> to vector<16x2048xf32>
    %swap3A_820 = vector.shape_cast %slice3A_814 : vector<16x2048xf32> to vector<1x16x2048xf32>
    tpu.vector_store %arg2[%swap3A_815, %swap3A_816, %swap3A_817], %swap3A_820 {strides = array<i32>} : memref<128x16x2048xf32, #tpu.memory_space<vmem>>, vector<1x16x2048xf32>,
    %roll3A_821 = arith.constant 2140 : i32
    %roll3A_822 = tpu.dynamic_rotate %get3A_4 by %roll3A_821 dim 1 : vector<16x2176xf32>, i32 -> vector<16x2176xf32>
    %slice3A_823 = vector.extract_strided_slice %roll3A_822 {offsets = [0, 0], sizes = [16, 2048], strides = [1, 1]} : vector<16x2176xf32> to vector<16x2048xf32>
    %swap3A_824 = arith.constant 91 : index
    %swap3A_825 = arith.constant 0 : index
    %swap3A_826 = arith.constant 0 : index
    %swap3A_827 = vector.load %arg2[%swap3A_824, %swap3A_825, %swap3A_826] : memref<128x16x2048xf32, #tpu.memory_space<vmem>>, vector<1x16x2048xf32>
    %swap3A_828 = vector.shape_cast %swap3A_827 : vector<1x16x2048xf32> to vector<16x2048xf32>
    %swap3A_829 = vector.shape_cast %slice3A_823 : vector<16x2048xf32> to vector<1x16x2048xf32>
    tpu.vector_store %arg2[%swap3A_824, %swap3A_825, %swap3A_826], %swap3A_829 {strides = array<i32>} : memref<128x16x2048xf32, #tpu.memory_space<vmem>>, vector<1x16x2048xf32>,
    %roll3A_830 = arith.constant 2141 : i32
    %roll3A_831 = tpu.dynamic_rotate %get3A_4 by %roll3A_830 dim 1 : vector<16x2176xf32>, i32 -> vector<16x2176xf32>
    %slice3A_832 = vector.extract_strided_slice %roll3A_831 {offsets = [0, 0], sizes = [16, 2048], strides = [1, 1]} : vector<16x2176xf32> to vector<16x2048xf32>
    %swap3A_833 = arith.constant 92 : index
    %swap3A_834 = arith.constant 0 : index
    %swap3A_835 = arith.constant 0 : index
    %swap3A_836 = vector.load %arg2[%swap3A_833, %swap3A_834, %swap3A_835] : memref<128x16x2048xf32, #tpu.memory_space<vmem>>, vector<1x16x2048xf32>
    %swap3A_837 = vector.shape_cast %swap3A_836 : vector<1x16x2048xf32> to vector<16x2048xf32>
    %swap3A_838 = vector.shape_cast %slice3A_832 : vector<16x2048xf32> to vector<1x16x2048xf32>
    tpu.vector_store %arg2[%swap3A_833, %swap3A_834, %swap3A_835], %swap3A_838 {strides = array<i32>} : memref<128x16x2048xf32, #tpu.memory_space<vmem>>, vector<1x16x2048xf32>,
    %roll3A_839 = arith.constant 2142 : i32
    %roll3A_840 = tpu.dynamic_rotate %get3A_4 by %roll3A_839 dim 1 : vector<16x2176xf32>, i32 -> vector<16x2176xf32>
    %slice3A_841 = vector.extract_strided_slice %roll3A_840 {offsets = [0, 0], sizes = [16, 2048], strides = [1, 1]} : vector<16x2176xf32> to vector<16x2048xf32>
    %swap3A_842 = arith.constant 93 : index
    %swap3A_843 = arith.constant 0 : index
    %swap3A_844 = arith.constant 0 : index
    %swap3A_845 = vector.load %arg2[%swap3A_842, %swap3A_843, %swap3A_844] : memref<128x16x2048xf32, #tpu.memory_space<vmem>>, vector<1x16x2048xf32>
    %swap3A_846 = vector.shape_cast %swap3A_845 : vector<1x16x2048xf32> to vector<16x2048xf32>
    %swap3A_847 = vector.shape_cast %slice3A_841 : vector<16x2048xf32> to vector<1x16x2048xf32>
    tpu.vector_store %arg2[%swap3A_842, %swap3A_843, %swap3A_844], %swap3A_847 {strides = array<i32>} : memref<128x16x2048xf32, #tpu.memory_space<vmem>>, vector<1x16x2048xf32>,
    %roll3A_848 = arith.constant 2143 : i32
    %roll3A_849 = tpu.dynamic_rotate %get3A_4 by %roll3A_848 dim 1 : vector<16x2176xf32>, i32 -> vector<16x2176xf32>
    %slice3A_850 = vector.extract_strided_slice %roll3A_849 {offsets = [0, 0], sizes = [16, 2048], strides = [1, 1]} : vector<16x2176xf32> to vector<16x2048xf32>
    %swap3A_851 = arith.constant 94 : index
    %swap3A_852 = arith.constant 0 : index
    %swap3A_853 = arith.constant 0 : index
    %swap3A_854 = vector.load %arg2[%swap3A_851, %swap3A_852, %swap3A_853] : memref<128x16x2048xf32, #tpu.memory_space<vmem>>, vector<1x16x2048xf32>
    %swap3A_855 = vector.shape_cast %swap3A_854 : vector<1x16x2048xf32> to vector<16x2048xf32>
    %swap3A_856 = vector.shape_cast %slice3A_850 : vector<16x2048xf32> to vector<1x16x2048xf32>
    tpu.vector_store %arg2[%swap3A_851, %swap3A_852, %swap3A_853], %swap3A_856 {strides = array<i32>} : memref<128x16x2048xf32, #tpu.memory_space<vmem>>, vector<1x16x2048xf32>,
    %roll3A_857 = arith.constant 2144 : i32
    %roll3A_858 = tpu.dynamic_rotate %get3A_4 by %roll3A_857 dim 1 : vector<16x2176xf32>, i32 -> vector<16x2176xf32>
    %slice3A_859 = vector.extract_strided_slice %roll3A_858 {offsets = [0, 0], sizes = [16, 2048], strides = [1, 1]} : vector<16x2176xf32> to vector<16x2048xf32>
    %swap3A_860 = arith.constant 95 : index
    %swap3A_861 = arith.constant 0 : index
    %swap3A_862 = arith.constant 0 : index
    %swap3A_863 = vector.load %arg2[%swap3A_860, %swap3A_861, %swap3A_862] : memref<128x16x2048xf32, #tpu.memory_space<vmem>>, vector<1x16x2048xf32>
    %swap3A_864 = vector.shape_cast %swap3A_863 : vector<1x16x2048xf32> to vector<16x2048xf32>
    %swap3A_865 = vector.shape_cast %slice3A_859 : vector<16x2048xf32> to vector<1x16x2048xf32>
    tpu.vector_store %arg2[%swap3A_860, %swap3A_861, %swap3A_862], %swap3A_865 {strides = array<i32>} : memref<128x16x2048xf32, #tpu.memory_space<vmem>>, vector<1x16x2048xf32>,
    %roll3A_866 = arith.constant 2145 : i32
    %roll3A_867 = tpu.dynamic_rotate %get3A_4 by %roll3A_866 dim 1 : vector<16x2176xf32>, i32 -> vector<16x2176xf32>
    %slice3A_868 = vector.extract_strided_slice %roll3A_867 {offsets = [0, 0], sizes = [16, 2048], strides = [1, 1]} : vector<16x2176xf32> to vector<16x2048xf32>
    %swap3A_869 = arith.constant 96 : index
    %swap3A_870 = arith.constant 0 : index
    %swap3A_871 = arith.constant 0 : index
    %swap3A_872 = vector.load %arg2[%swap3A_869, %swap3A_870, %swap3A_871] : memref<128x16x2048xf32, #tpu.memory_space<vmem>>, vector<1x16x2048xf32>
    %swap3A_873 = vector.shape_cast %swap3A_872 : vector<1x16x2048xf32> to vector<16x2048xf32>
    %swap3A_874 = vector.shape_cast %slice3A_868 : vector<16x2048xf32> to vector<1x16x2048xf32>
    tpu.vector_store %arg2[%swap3A_869, %swap3A_870, %swap3A_871], %swap3A_874 {strides = array<i32>} : memref<128x16x2048xf32, #tpu.memory_space<vmem>>, vector<1x16x2048xf32>,
    %roll3A_875 = arith.constant 2146 : i32
    %roll3A_876 = tpu.dynamic_rotate %get3A_4 by %roll3A_875 dim 1 : vector<16x2176xf32>, i32 -> vector<16x2176xf32>
    %slice3A_877 = vector.extract_strided_slice %roll3A_876 {offsets = [0, 0], sizes = [16, 2048], strides = [1, 1]} : vector<16x2176xf32> to vector<16x2048xf32>
    %swap3A_878 = arith.constant 97 : index
    %swap3A_879 = arith.constant 0 : index
    %swap3A_880 = arith.constant 0 : index
    %swap3A_881 = vector.load %arg2[%swap3A_878, %swap3A_879, %swap3A_880] : memref<128x16x2048xf32, #tpu.memory_space<vmem>>, vector<1x16x2048xf32>
    %swap3A_882 = vector.shape_cast %swap3A_881 : vector<1x16x2048xf32> to vector<16x2048xf32>
    %swap3A_883 = vector.shape_cast %slice3A_877 : vector<16x2048xf32> to vector<1x16x2048xf32>
    tpu.vector_store %arg2[%swap3A_878, %swap3A_879, %swap3A_880], %swap3A_883 {strides = array<i32>} : memref<128x16x2048xf32, #tpu.memory_space<vmem>>, vector<1x16x2048xf32>,
    %roll3A_884 = arith.constant 2147 : i32
    %roll3A_885 = tpu.dynamic_rotate %get3A_4 by %roll3A_884 dim 1 : vector<16x2176xf32>, i32 -> vector<16x2176xf32>
    %slice3A_886 = vector.extract_strided_slice %roll3A_885 {offsets = [0, 0], sizes = [16, 2048], strides = [1, 1]} : vector<16x2176xf32> to vector<16x2048xf32>
    %swap3A_887 = arith.constant 98 : index
    %swap3A_888 = arith.constant 0 : index
    %swap3A_889 = arith.constant 0 : index
    %swap3A_890 = vector.load %arg2[%swap3A_887, %swap3A_888, %swap3A_889] : memref<128x16x2048xf32, #tpu.memory_space<vmem>>, vector<1x16x2048xf32>
    %swap3A_891 = vector.shape_cast %swap3A_890 : vector<1x16x2048xf32> to vector<16x2048xf32>
    %swap3A_892 = vector.shape_cast %slice3A_886 : vector<16x2048xf32> to vector<1x16x2048xf32>
    tpu.vector_store %arg2[%swap3A_887, %swap3A_888, %swap3A_889], %swap3A_892 {strides = array<i32>} : memref<128x16x2048xf32, #tpu.memory_space<vmem>>, vector<1x16x2048xf32>,
    %roll3A_893 = arith.constant 2148 : i32
    %roll3A_894 = tpu.dynamic_rotate %get3A_4 by %roll3A_893 dim 1 : vector<16x2176xf32>, i32 -> vector<16x2176xf32>
    %slice3A_895 = vector.extract_strided_slice %roll3A_894 {offsets = [0, 0], sizes = [16, 2048], strides = [1, 1]} : vector<16x2176xf32> to vector<16x2048xf32>
    %swap3A_896 = arith.constant 99 : index
    %swap3A_897 = arith.constant 0 : index
    %swap3A_898 = arith.constant 0 : index
    %swap3A_899 = vector.load %arg2[%swap3A_896, %swap3A_897, %swap3A_898] : memref<128x16x2048xf32, #tpu.memory_space<vmem>>, vector<1x16x2048xf32>
    %swap3A_900 = vector.shape_cast %swap3A_899 : vector<1x16x2048xf32> to vector<16x2048xf32>
    %swap3A_901 = vector.shape_cast %slice3A_895 : vector<16x2048xf32> to vector<1x16x2048xf32>
    tpu.vector_store %arg2[%swap3A_896, %swap3A_897, %swap3A_898], %swap3A_901 {strides = array<i32>} : memref<128x16x2048xf32, #tpu.memory_space<vmem>>, vector<1x16x2048xf32>,
    %roll3A_902 = arith.constant 2149 : i32
    %roll3A_903 = tpu.dynamic_rotate %get3A_4 by %roll3A_902 dim 1 : vector<16x2176xf32>, i32 -> vector<16x2176xf32>
    %slice3A_904 = vector.extract_strided_slice %roll3A_903 {offsets = [0, 0], sizes = [16, 2048], strides = [1, 1]} : vector<16x2176xf32> to vector<16x2048xf32>
    %swap3A_905 = arith.constant 100 : index
    %swap3A_906 = arith.constant 0 : index
    %swap3A_907 = arith.constant 0 : index
    %swap3A_908 = vector.load %arg2[%swap3A_905, %swap3A_906, %swap3A_907] : memref<128x16x2048xf32, #tpu.memory_space<vmem>>, vector<1x16x2048xf32>
    %swap3A_909 = vector.shape_cast %swap3A_908 : vector<1x16x2048xf32> to vector<16x2048xf32>
    %swap3A_910 = vector.shape_cast %slice3A_904 : vector<16x2048xf32> to vector<1x16x2048xf32>
    tpu.vector_store %arg2[%swap3A_905, %swap3A_906, %swap3A_907], %swap3A_910 {strides = array<i32>} : memref<128x16x2048xf32, #tpu.memory_space<vmem>>, vector<1x16x2048xf32>,
    %roll3A_911 = arith.constant 2150 : i32
    %roll3A_912 = tpu.dynamic_rotate %get3A_4 by %roll3A_911 dim 1 : vector<16x2176xf32>, i32 -> vector<16x2176xf32>
    %slice3A_913 = vector.extract_strided_slice %roll3A_912 {offsets = [0, 0], sizes = [16, 2048], strides = [1, 1]} : vector<16x2176xf32> to vector<16x2048xf32>
    %swap3A_914 = arith.constant 101 : index
    %swap3A_915 = arith.constant 0 : index
    %swap3A_916 = arith.constant 0 : index
    %swap3A_917 = vector.load %arg2[%swap3A_914, %swap3A_915, %swap3A_916] : memref<128x16x2048xf32, #tpu.memory_space<vmem>>, vector<1x16x2048xf32>
    %swap3A_918 = vector.shape_cast %swap3A_917 : vector<1x16x2048xf32> to vector<16x2048xf32>
    %swap3A_919 = vector.shape_cast %slice3A_913 : vector<16x2048xf32> to vector<1x16x2048xf32>
    tpu.vector_store %arg2[%swap3A_914, %swap3A_915, %swap3A_916], %swap3A_919 {strides = array<i32>} : memref<128x16x2048xf32, #tpu.memory_space<vmem>>, vector<1x16x2048xf32>,
    %roll3A_920 = arith.constant 2151 : i32
    %roll3A_921 = tpu.dynamic_rotate %get3A_4 by %roll3A_920 dim 1 : vector<16x2176xf32>, i32 -> vector<16x2176xf32>
    %slice3A_922 = vector.extract_strided_slice %roll3A_921 {offsets = [0, 0], sizes = [16, 2048], strides = [1, 1]} : vector<16x2176xf32> to vector<16x2048xf32>
    %swap3A_923 = arith.constant 102 : index
    %swap3A_924 = arith.constant 0 : index
    %swap3A_925 = arith.constant 0 : index
    %swap3A_926 = vector.load %arg2[%swap3A_923, %swap3A_924, %swap3A_925] : memref<128x16x2048xf32, #tpu.memory_space<vmem>>, vector<1x16x2048xf32>
    %swap3A_927 = vector.shape_cast %swap3A_926 : vector<1x16x2048xf32> to vector<16x2048xf32>
    %swap3A_928 = vector.shape_cast %slice3A_922 : vector<16x2048xf32> to vector<1x16x2048xf32>
    tpu.vector_store %arg2[%swap3A_923, %swap3A_924, %swap3A_925], %swap3A_928 {strides = array<i32>} : memref<128x16x2048xf32, #tpu.memory_space<vmem>>, vector<1x16x2048xf32>,
    %roll3A_929 = arith.constant 2152 : i32
    %roll3A_930 = tpu.dynamic_rotate %get3A_4 by %roll3A_929 dim 1 : vector<16x2176xf32>, i32 -> vector<16x2176xf32>
    %slice3A_931 = vector.extract_strided_slice %roll3A_930 {offsets = [0, 0], sizes = [16, 2048], strides = [1, 1]} : vector<16x2176xf32> to vector<16x2048xf32>
    %swap3A_932 = arith.constant 103 : index
    %swap3A_933 = arith.constant 0 : index
    %swap3A_934 = arith.constant 0 : index
    %swap3A_935 = vector.load %arg2[%swap3A_932, %swap3A_933, %swap3A_934] : memref<128x16x2048xf32, #tpu.memory_space<vmem>>, vector<1x16x2048xf32>
    %swap3A_936 = vector.shape_cast %swap3A_935 : vector<1x16x2048xf32> to vector<16x2048xf32>
    %swap3A_937 = vector.shape_cast %slice3A_931 : vector<16x2048xf32> to vector<1x16x2048xf32>
    tpu.vector_store %arg2[%swap3A_932, %swap3A_933, %swap3A_934], %swap3A_937 {strides = array<i32>} : memref<128x16x2048xf32, #tpu.memory_space<vmem>>, vector<1x16x2048xf32>,
    %roll3A_938 = arith.constant 2153 : i32
    %roll3A_939 = tpu.dynamic_rotate %get3A_4 by %roll3A_938 dim 1 : vector<16x2176xf32>, i32 -> vector<16x2176xf32>
    %slice3A_940 = vector.extract_strided_slice %roll3A_939 {offsets = [0, 0], sizes = [16, 2048], strides = [1, 1]} : vector<16x2176xf32> to vector<16x2048xf32>
    %swap3A_941 = arith.constant 104 : index
    %swap3A_942 = arith.constant 0 : index
    %swap3A_943 = arith.constant 0 : index
    %swap3A_944 = vector.load %arg2[%swap3A_941, %swap3A_942, %swap3A_943] : memref<128x16x2048xf32, #tpu.memory_space<vmem>>, vector<1x16x2048xf32>
    %swap3A_945 = vector.shape_cast %swap3A_944 : vector<1x16x2048xf32> to vector<16x2048xf32>
    %swap3A_946 = vector.shape_cast %slice3A_940 : vector<16x2048xf32> to vector<1x16x2048xf32>
    tpu.vector_store %arg2[%swap3A_941, %swap3A_942, %swap3A_943], %swap3A_946 {strides = array<i32>} : memref<128x16x2048xf32, #tpu.memory_space<vmem>>, vector<1x16x2048xf32>,
    %roll3A_947 = arith.constant 2154 : i32
    %roll3A_948 = tpu.dynamic_rotate %get3A_4 by %roll3A_947 dim 1 : vector<16x2176xf32>, i32 -> vector<16x2176xf32>
    %slice3A_949 = vector.extract_strided_slice %roll3A_948 {offsets = [0, 0], sizes = [16, 2048], strides = [1, 1]} : vector<16x2176xf32> to vector<16x2048xf32>
    %swap3A_950 = arith.constant 105 : index
    %swap3A_951 = arith.constant 0 : index
    %swap3A_952 = arith.constant 0 : index
    %swap3A_953 = vector.load %arg2[%swap3A_950, %swap3A_951, %swap3A_952] : memref<128x16x2048xf32, #tpu.memory_space<vmem>>, vector<1x16x2048xf32>
    %swap3A_954 = vector.shape_cast %swap3A_953 : vector<1x16x2048xf32> to vector<16x2048xf32>
    %swap3A_955 = vector.shape_cast %slice3A_949 : vector<16x2048xf32> to vector<1x16x2048xf32>
    tpu.vector_store %arg2[%swap3A_950, %swap3A_951, %swap3A_952], %swap3A_955 {strides = array<i32>} : memref<128x16x2048xf32, #tpu.memory_space<vmem>>, vector<1x16x2048xf32>,
    %roll3A_956 = arith.constant 2155 : i32
    %roll3A_957 = tpu.dynamic_rotate %get3A_4 by %roll3A_956 dim 1 : vector<16x2176xf32>, i32 -> vector<16x2176xf32>
    %slice3A_958 = vector.extract_strided_slice %roll3A_957 {offsets = [0, 0], sizes = [16, 2048], strides = [1, 1]} : vector<16x2176xf32> to vector<16x2048xf32>
    %swap3A_959 = arith.constant 106 : index
    %swap3A_960 = arith.constant 0 : index
    %swap3A_961 = arith.constant 0 : index
    %swap3A_962 = vector.load %arg2[%swap3A_959, %swap3A_960, %swap3A_961] : memref<128x16x2048xf32, #tpu.memory_space<vmem>>, vector<1x16x2048xf32>
    %swap3A_963 = vector.shape_cast %swap3A_962 : vector<1x16x2048xf32> to vector<16x2048xf32>
    %swap3A_964 = vector.shape_cast %slice3A_958 : vector<16x2048xf32> to vector<1x16x2048xf32>
    tpu.vector_store %arg2[%swap3A_959, %swap3A_960, %swap3A_961], %swap3A_964 {strides = array<i32>} : memref<128x16x2048xf32, #tpu.memory_space<vmem>>, vector<1x16x2048xf32>,
    %roll3A_965 = arith.constant 2156 : i32
    %roll3A_966 = tpu.dynamic_rotate %get3A_4 by %roll3A_965 dim 1 : vector<16x2176xf32>, i32 -> vector<16x2176xf32>
    %slice3A_967 = vector.extract_strided_slice %roll3A_966 {offsets = [0, 0], sizes = [16, 2048], strides = [1, 1]} : vector<16x2176xf32> to vector<16x2048xf32>
    %swap3A_968 = arith.constant 107 : index
    %swap3A_969 = arith.constant 0 : index
    %swap3A_970 = arith.constant 0 : index
    %swap3A_971 = vector.load %arg2[%swap3A_968, %swap3A_969, %swap3A_970] : memref<128x16x2048xf32, #tpu.memory_space<vmem>>, vector<1x16x2048xf32>
    %swap3A_972 = vector.shape_cast %swap3A_971 : vector<1x16x2048xf32> to vector<16x2048xf32>
    %swap3A_973 = vector.shape_cast %slice3A_967 : vector<16x2048xf32> to vector<1x16x2048xf32>
    tpu.vector_store %arg2[%swap3A_968, %swap3A_969, %swap3A_970], %swap3A_973 {strides = array<i32>} : memref<128x16x2048xf32, #tpu.memory_space<vmem>>, vector<1x16x2048xf32>,
    %roll3A_974 = arith.constant 2157 : i32
    %roll3A_975 = tpu.dynamic_rotate %get3A_4 by %roll3A_974 dim 1 : vector<16x2176xf32>, i32 -> vector<16x2176xf32>
    %slice3A_976 = vector.extract_strided_slice %roll3A_975 {offsets = [0, 0], sizes = [16, 2048], strides = [1, 1]} : vector<16x2176xf32> to vector<16x2048xf32>
    %swap3A_977 = arith.constant 108 : index
    %swap3A_978 = arith.constant 0 : index
    %swap3A_979 = arith.constant 0 : index
    %swap3A_980 = vector.load %arg2[%swap3A_977, %swap3A_978, %swap3A_979] : memref<128x16x2048xf32, #tpu.memory_space<vmem>>, vector<1x16x2048xf32>
    %swap3A_981 = vector.shape_cast %swap3A_980 : vector<1x16x2048xf32> to vector<16x2048xf32>
    %swap3A_982 = vector.shape_cast %slice3A_976 : vector<16x2048xf32> to vector<1x16x2048xf32>
    tpu.vector_store %arg2[%swap3A_977, %swap3A_978, %swap3A_979], %swap3A_982 {strides = array<i32>} : memref<128x16x2048xf32, #tpu.memory_space<vmem>>, vector<1x16x2048xf32>,
    %roll3A_983 = arith.constant 2158 : i32
    %roll3A_984 = tpu.dynamic_rotate %get3A_4 by %roll3A_983 dim 1 : vector<16x2176xf32>, i32 -> vector<16x2176xf32>
    %slice3A_985 = vector.extract_strided_slice %roll3A_984 {offsets = [0, 0], sizes = [16, 2048], strides = [1, 1]} : vector<16x2176xf32> to vector<16x2048xf32>
    %swap3A_986 = arith.constant 109 : index
    %swap3A_987 = arith.constant 0 : index
    %swap3A_988 = arith.constant 0 : index
    %swap3A_989 = vector.load %arg2[%swap3A_986, %swap3A_987, %swap3A_988] : memref<128x16x2048xf32, #tpu.memory_space<vmem>>, vector<1x16x2048xf32>
    %swap3A_990 = vector.shape_cast %swap3A_989 : vector<1x16x2048xf32> to vector<16x2048xf32>
    %swap3A_991 = vector.shape_cast %slice3A_985 : vector<16x2048xf32> to vector<1x16x2048xf32>
    tpu.vector_store %arg2[%swap3A_986, %swap3A_987, %swap3A_988], %swap3A_991 {strides = array<i32>} : memref<128x16x2048xf32, #tpu.memory_space<vmem>>, vector<1x16x2048xf32>,
    %roll3A_992 = arith.constant 2159 : i32
    %roll3A_993 = tpu.dynamic_rotate %get3A_4 by %roll3A_992 dim 1 : vector<16x2176xf32>, i32 -> vector<16x2176xf32>
    %slice3A_994 = vector.extract_strided_slice %roll3A_993 {offsets = [0, 0], sizes = [16, 2048], strides = [1, 1]} : vector<16x2176xf32> to vector<16x2048xf32>
    %swap3A_995 = arith.constant 110 : index
    %swap3A_996 = arith.constant 0 : index
    %swap3A_997 = arith.constant 0 : index
    %swap3A_998 = vector.load %arg2[%swap3A_995, %swap3A_996, %swap3A_997] : memref<128x16x2048xf32, #tpu.memory_space<vmem>>, vector<1x16x2048xf32>
    %swap3A_999 = vector.shape_cast %swap3A_998 : vector<1x16x2048xf32> to vector<16x2048xf32>
    %swap3A_1000 = vector.shape_cast %slice3A_994 : vector<16x2048xf32> to vector<1x16x2048xf32>
    tpu.vector_store %arg2[%swap3A_995, %swap3A_996, %swap3A_997], %swap3A_1000 {strides = array<i32>} : memref<128x16x2048xf32, #tpu.memory_space<vmem>>, vector<1x16x2048xf32>,
    %roll3A_1001 = arith.constant 2160 : i32
    %roll3A_1002 = tpu.dynamic_rotate %get3A_4 by %roll3A_1001 dim 1 : vector<16x2176xf32>, i32 -> vector<16x2176xf32>
    %slice3A_1003 = vector.extract_strided_slice %roll3A_1002 {offsets = [0, 0], sizes = [16, 2048], strides = [1, 1]} : vector<16x2176xf32> to vector<16x2048xf32>
    %swap3A_1004 = arith.constant 111 : index
    %swap3A_1005 = arith.constant 0 : index
    %swap3A_1006 = arith.constant 0 : index
    %swap3A_1007 = vector.load %arg2[%swap3A_1004, %swap3A_1005, %swap3A_1006] : memref<128x16x2048xf32, #tpu.memory_space<vmem>>, vector<1x16x2048xf32>
    %swap3A_1008 = vector.shape_cast %swap3A_1007 : vector<1x16x2048xf32> to vector<16x2048xf32>
    %swap3A_1009 = vector.shape_cast %slice3A_1003 : vector<16x2048xf32> to vector<1x16x2048xf32>
    tpu.vector_store %arg2[%swap3A_1004, %swap3A_1005, %swap3A_1006], %swap3A_1009 {strides = array<i32>} : memref<128x16x2048xf32, #tpu.memory_space<vmem>>, vector<1x16x2048xf32>,
    %roll3A_1010 = arith.constant 2161 : i32
    %roll3A_1011 = tpu.dynamic_rotate %get3A_4 by %roll3A_1010 dim 1 : vector<16x2176xf32>, i32 -> vector<16x2176xf32>
    %slice3A_1012 = vector.extract_strided_slice %roll3A_1011 {offsets = [0, 0], sizes = [16, 2048], strides = [1, 1]} : vector<16x2176xf32> to vector<16x2048xf32>
    %swap3A_1013 = arith.constant 112 : index
    %swap3A_1014 = arith.constant 0 : index
    %swap3A_1015 = arith.constant 0 : index
    %swap3A_1016 = vector.load %arg2[%swap3A_1013, %swap3A_1014, %swap3A_1015] : memref<128x16x2048xf32, #tpu.memory_space<vmem>>, vector<1x16x2048xf32>
    %swap3A_1017 = vector.shape_cast %swap3A_1016 : vector<1x16x2048xf32> to vector<16x2048xf32>
    %swap3A_1018 = vector.shape_cast %slice3A_1012 : vector<16x2048xf32> to vector<1x16x2048xf32>
    tpu.vector_store %arg2[%swap3A_1013, %swap3A_1014, %swap3A_1015], %swap3A_1018 {strides = array<i32>} : memref<128x16x2048xf32, #tpu.memory_space<vmem>>, vector<1x16x2048xf32>,
    %roll3A_1019 = arith.constant 2162 : i32
    %roll3A_1020 = tpu.dynamic_rotate %get3A_4 by %roll3A_1019 dim 1 : vector<16x2176xf32>, i32 -> vector<16x2176xf32>
    %slice3A_1021 = vector.extract_strided_slice %roll3A_1020 {offsets = [0, 0], sizes = [16, 2048], strides = [1, 1]} : vector<16x2176xf32> to vector<16x2048xf32>
    %swap3A_1022 = arith.constant 113 : index
    %swap3A_1023 = arith.constant 0 : index
    %swap3A_1024 = arith.constant 0 : index
    %swap3A_1025 = vector.load %arg2[%swap3A_1022, %swap3A_1023, %swap3A_1024] : memref<128x16x2048xf32, #tpu.memory_space<vmem>>, vector<1x16x2048xf32>
    %swap3A_1026 = vector.shape_cast %swap3A_1025 : vector<1x16x2048xf32> to vector<16x2048xf32>
    %swap3A_1027 = vector.shape_cast %slice3A_1021 : vector<16x2048xf32> to vector<1x16x2048xf32>
    tpu.vector_store %arg2[%swap3A_1022, %swap3A_1023, %swap3A_1024], %swap3A_1027 {strides = array<i32>} : memref<128x16x2048xf32, #tpu.memory_space<vmem>>, vector<1x16x2048xf32>,
    %roll3A_1028 = arith.constant 2163 : i32
    %roll3A_1029 = tpu.dynamic_rotate %get3A_4 by %roll3A_1028 dim 1 : vector<16x2176xf32>, i32 -> vector<16x2176xf32>
    %slice3A_1030 = vector.extract_strided_slice %roll3A_1029 {offsets = [0, 0], sizes = [16, 2048], strides = [1, 1]} : vector<16x2176xf32> to vector<16x2048xf32>
    %swap3A_1031 = arith.constant 114 : index
    %swap3A_1032 = arith.constant 0 : index
    %swap3A_1033 = arith.constant 0 : index
    %swap3A_1034 = vector.load %arg2[%swap3A_1031, %swap3A_1032, %swap3A_1033] : memref<128x16x2048xf32, #tpu.memory_space<vmem>>, vector<1x16x2048xf32>
    %swap3A_1035 = vector.shape_cast %swap3A_1034 : vector<1x16x2048xf32> to vector<16x2048xf32>
    %swap3A_1036 = vector.shape_cast %slice3A_1030 : vector<16x2048xf32> to vector<1x16x2048xf32>
    tpu.vector_store %arg2[%swap3A_1031, %swap3A_1032, %swap3A_1033], %swap3A_1036 {strides = array<i32>} : memref<128x16x2048xf32, #tpu.memory_space<vmem>>, vector<1x16x2048xf32>,
    %roll3A_1037 = arith.constant 2164 : i32
    %roll3A_1038 = tpu.dynamic_rotate %get3A_4 by %roll3A_1037 dim 1 : vector<16x2176xf32>, i32 -> vector<16x2176xf32>
    %slice3A_1039 = vector.extract_strided_slice %roll3A_1038 {offsets = [0, 0], sizes = [16, 2048], strides = [1, 1]} : vector<16x2176xf32> to vector<16x2048xf32>
    %swap3A_1040 = arith.constant 115 : index
    %swap3A_1041 = arith.constant 0 : index
    %swap3A_1042 = arith.constant 0 : index
    %swap3A_1043 = vector.load %arg2[%swap3A_1040, %swap3A_1041, %swap3A_1042] : memref<128x16x2048xf32, #tpu.memory_space<vmem>>, vector<1x16x2048xf32>
    %swap3A_1044 = vector.shape_cast %swap3A_1043 : vector<1x16x2048xf32> to vector<16x2048xf32>
    %swap3A_1045 = vector.shape_cast %slice3A_1039 : vector<16x2048xf32> to vector<1x16x2048xf32>
    tpu.vector_store %arg2[%swap3A_1040, %swap3A_1041, %swap3A_1042], %swap3A_1045 {strides = array<i32>} : memref<128x16x2048xf32, #tpu.memory_space<vmem>>, vector<1x16x2048xf32>,
    %roll3A_1046 = arith.constant 2165 : i32
    %roll3A_1047 = tpu.dynamic_rotate %get3A_4 by %roll3A_1046 dim 1 : vector<16x2176xf32>, i32 -> vector<16x2176xf32>
    %slice3A_1048 = vector.extract_strided_slice %roll3A_1047 {offsets = [0, 0], sizes = [16, 2048], strides = [1, 1]} : vector<16x2176xf32> to vector<16x2048xf32>
    %swap3A_1049 = arith.constant 116 : index
    %swap3A_1050 = arith.constant 0 : index
    %swap3A_1051 = arith.constant 0 : index
    %swap3A_1052 = vector.load %arg2[%swap3A_1049, %swap3A_1050, %swap3A_1051] : memref<128x16x2048xf32, #tpu.memory_space<vmem>>, vector<1x16x2048xf32>
    %swap3A_1053 = vector.shape_cast %swap3A_1052 : vector<1x16x2048xf32> to vector<16x2048xf32>
    %swap3A_1054 = vector.shape_cast %slice3A_1048 : vector<16x2048xf32> to vector<1x16x2048xf32>
    tpu.vector_store %arg2[%swap3A_1049, %swap3A_1050, %swap3A_1051], %swap3A_1054 {strides = array<i32>} : memref<128x16x2048xf32, #tpu.memory_space<vmem>>, vector<1x16x2048xf32>,
    %roll3A_1055 = arith.constant 2166 : i32
    %roll3A_1056 = tpu.dynamic_rotate %get3A_4 by %roll3A_1055 dim 1 : vector<16x2176xf32>, i32 -> vector<16x2176xf32>
    %slice3A_1057 = vector.extract_strided_slice %roll3A_1056 {offsets = [0, 0], sizes = [16, 2048], strides = [1, 1]} : vector<16x2176xf32> to vector<16x2048xf32>
    %swap3A_1058 = arith.constant 117 : index
    %swap3A_1059 = arith.constant 0 : index
    %swap3A_1060 = arith.constant 0 : index
    %swap3A_1061 = vector.load %arg2[%swap3A_1058, %swap3A_1059, %swap3A_1060] : memref<128x16x2048xf32, #tpu.memory_space<vmem>>, vector<1x16x2048xf32>
    %swap3A_1062 = vector.shape_cast %swap3A_1061 : vector<1x16x2048xf32> to vector<16x2048xf32>
    %swap3A_1063 = vector.shape_cast %slice3A_1057 : vector<16x2048xf32> to vector<1x16x2048xf32>
    tpu.vector_store %arg2[%swap3A_1058, %swap3A_1059, %swap3A_1060], %swap3A_1063 {strides = array<i32>} : memref<128x16x2048xf32, #tpu.memory_space<vmem>>, vector<1x16x2048xf32>,
    %roll3A_1064 = arith.constant 2167 : i32
    %roll3A_1065 = tpu.dynamic_rotate %get3A_4 by %roll3A_1064 dim 1 : vector<16x2176xf32>, i32 -> vector<16x2176xf32>
    %slice3A_1066 = vector.extract_strided_slice %roll3A_1065 {offsets = [0, 0], sizes = [16, 2048], strides = [1, 1]} : vector<16x2176xf32> to vector<16x2048xf32>
    %swap3A_1067 = arith.constant 118 : index
    %swap3A_1068 = arith.constant 0 : index
    %swap3A_1069 = arith.constant 0 : index
    %swap3A_1070 = vector.load %arg2[%swap3A_1067, %swap3A_1068, %swap3A_1069] : memref<128x16x2048xf32, #tpu.memory_space<vmem>>, vector<1x16x2048xf32>
    %swap3A_1071 = vector.shape_cast %swap3A_1070 : vector<1x16x2048xf32> to vector<16x2048xf32>
    %swap3A_1072 = vector.shape_cast %slice3A_1066 : vector<16x2048xf32> to vector<1x16x2048xf32>
    tpu.vector_store %arg2[%swap3A_1067, %swap3A_1068, %swap3A_1069], %swap3A_1072 {strides = array<i32>} : memref<128x16x2048xf32, #tpu.memory_space<vmem>>, vector<1x16x2048xf32>,
    %roll3A_1073 = arith.constant 2168 : i32
    %roll3A_1074 = tpu.dynamic_rotate %get3A_4 by %roll3A_1073 dim 1 : vector<16x2176xf32>, i32 -> vector<16x2176xf32>
    %slice3A_1075 = vector.extract_strided_slice %roll3A_1074 {offsets = [0, 0], sizes = [16, 2048], strides = [1, 1]} : vector<16x2176xf32> to vector<16x2048xf32>
    %swap3A_1076 = arith.constant 119 : index
    %swap3A_1077 = arith.constant 0 : index
    %swap3A_1078 = arith.constant 0 : index
    %swap3A_1079 = vector.load %arg2[%swap3A_1076, %swap3A_1077, %swap3A_1078] : memref<128x16x2048xf32, #tpu.memory_space<vmem>>, vector<1x16x2048xf32>
    %swap3A_1080 = vector.shape_cast %swap3A_1079 : vector<1x16x2048xf32> to vector<16x2048xf32>
    %swap3A_1081 = vector.shape_cast %slice3A_1075 : vector<16x2048xf32> to vector<1x16x2048xf32>
    tpu.vector_store %arg2[%swap3A_1076, %swap3A_1077, %swap3A_1078], %swap3A_1081 {strides = array<i32>} : memref<128x16x2048xf32, #tpu.memory_space<vmem>>, vector<1x16x2048xf32>,
    %roll3A_1082 = arith.constant 2169 : i32
    %roll3A_1083 = tpu.dynamic_rotate %get3A_4 by %roll3A_1082 dim 1 : vector<16x2176xf32>, i32 -> vector<16x2176xf32>
    %slice3A_1084 = vector.extract_strided_slice %roll3A_1083 {offsets = [0, 0], sizes = [16, 2048], strides = [1, 1]} : vector<16x2176xf32> to vector<16x2048xf32>
    %swap3A_1085 = arith.constant 120 : index
    %swap3A_1086 = arith.constant 0 : index
    %swap3A_1087 = arith.constant 0 : index
    %swap3A_1088 = vector.load %arg2[%swap3A_1085, %swap3A_1086, %swap3A_1087] : memref<128x16x2048xf32, #tpu.memory_space<vmem>>, vector<1x16x2048xf32>
    %swap3A_1089 = vector.shape_cast %swap3A_1088 : vector<1x16x2048xf32> to vector<16x2048xf32>
    %swap3A_1090 = vector.shape_cast %slice3A_1084 : vector<16x2048xf32> to vector<1x16x2048xf32>
    tpu.vector_store %arg2[%swap3A_1085, %swap3A_1086, %swap3A_1087], %swap3A_1090 {strides = array<i32>} : memref<128x16x2048xf32, #tpu.memory_space<vmem>>, vector<1x16x2048xf32>,
    %roll3A_1091 = arith.constant 2170 : i32
    %roll3A_1092 = tpu.dynamic_rotate %get3A_4 by %roll3A_1091 dim 1 : vector<16x2176xf32>, i32 -> vector<16x2176xf32>
    %slice3A_1093 = vector.extract_strided_slice %roll3A_1092 {offsets = [0, 0], sizes = [16, 2048], strides = [1, 1]} : vector<16x2176xf32> to vector<16x2048xf32>
    %swap3A_1094 = arith.constant 121 : index
    %swap3A_1095 = arith.constant 0 : index
    %swap3A_1096 = arith.constant 0 : index
    %swap3A_1097 = vector.load %arg2[%swap3A_1094, %swap3A_1095, %swap3A_1096] : memref<128x16x2048xf32, #tpu.memory_space<vmem>>, vector<1x16x2048xf32>
    %swap3A_1098 = vector.shape_cast %swap3A_1097 : vector<1x16x2048xf32> to vector<16x2048xf32>
    %swap3A_1099 = vector.shape_cast %slice3A_1093 : vector<16x2048xf32> to vector<1x16x2048xf32>
    tpu.vector_store %arg2[%swap3A_1094, %swap3A_1095, %swap3A_1096], %swap3A_1099 {strides = array<i32>} : memref<128x16x2048xf32, #tpu.memory_space<vmem>>, vector<1x16x2048xf32>,
    %roll3A_1100 = arith.constant 2171 : i32
    %roll3A_1101 = tpu.dynamic_rotate %get3A_4 by %roll3A_1100 dim 1 : vector<16x2176xf32>, i32 -> vector<16x2176xf32>
    %slice3A_1102 = vector.extract_strided_slice %roll3A_1101 {offsets = [0, 0], sizes = [16, 2048], strides = [1, 1]} : vector<16x2176xf32> to vector<16x2048xf32>
    %swap3A_1103 = arith.constant 122 : index
    %swap3A_1104 = arith.constant 0 : index
    %swap3A_1105 = arith.constant 0 : index
    %swap3A_1106 = vector.load %arg2[%swap3A_1103, %swap3A_1104, %swap3A_1105] : memref<128x16x2048xf32, #tpu.memory_space<vmem>>, vector<1x16x2048xf32>
    %swap3A_1107 = vector.shape_cast %swap3A_1106 : vector<1x16x2048xf32> to vector<16x2048xf32>
    %swap3A_1108 = vector.shape_cast %slice3A_1102 : vector<16x2048xf32> to vector<1x16x2048xf32>
    tpu.vector_store %arg2[%swap3A_1103, %swap3A_1104, %swap3A_1105], %swap3A_1108 {strides = array<i32>} : memref<128x16x2048xf32, #tpu.memory_space<vmem>>, vector<1x16x2048xf32>,
    %roll3A_1109 = arith.constant 2172 : i32
    %roll3A_1110 = tpu.dynamic_rotate %get3A_4 by %roll3A_1109 dim 1 : vector<16x2176xf32>, i32 -> vector<16x2176xf32>
    %slice3A_1111 = vector.extract_strided_slice %roll3A_1110 {offsets = [0, 0], sizes = [16, 2048], strides = [1, 1]} : vector<16x2176xf32> to vector<16x2048xf32>
    %swap3A_1112 = arith.constant 123 : index
    %swap3A_1113 = arith.constant 0 : index
    %swap3A_1114 = arith.constant 0 : index
    %swap3A_1115 = vector.load %arg2[%swap3A_1112, %swap3A_1113, %swap3A_1114] : memref<128x16x2048xf32, #tpu.memory_space<vmem>>, vector<1x16x2048xf32>
    %swap3A_1116 = vector.shape_cast %swap3A_1115 : vector<1x16x2048xf32> to vector<16x2048xf32>
    %swap3A_1117 = vector.shape_cast %slice3A_1111 : vector<16x2048xf32> to vector<1x16x2048xf32>
    tpu.vector_store %arg2[%swap3A_1112, %swap3A_1113, %swap3A_1114], %swap3A_1117 {strides = array<i32>} : memref<128x16x2048xf32, #tpu.memory_space<vmem>>, vector<1x16x2048xf32>,
    %roll3A_1118 = arith.constant 2173 : i32
    %roll3A_1119 = tpu.dynamic_rotate %get3A_4 by %roll3A_1118 dim 1 : vector<16x2176xf32>, i32 -> vector<16x2176xf32>
    %slice3A_1120 = vector.extract_strided_slice %roll3A_1119 {offsets = [0, 0], sizes = [16, 2048], strides = [1, 1]} : vector<16x2176xf32> to vector<16x2048xf32>
    %swap3A_1121 = arith.constant 124 : index
    %swap3A_1122 = arith.constant 0 : index
    %swap3A_1123 = arith.constant 0 : index
    %swap3A_1124 = vector.load %arg2[%swap3A_1121, %swap3A_1122, %swap3A_1123] : memref<128x16x2048xf32, #tpu.memory_space<vmem>>, vector<1x16x2048xf32>
    %swap3A_1125 = vector.shape_cast %swap3A_1124 : vector<1x16x2048xf32> to vector<16x2048xf32>
    %swap3A_1126 = vector.shape_cast %slice3A_1120 : vector<16x2048xf32> to vector<1x16x2048xf32>
    tpu.vector_store %arg2[%swap3A_1121, %swap3A_1122, %swap3A_1123], %swap3A_1126 {strides = array<i32>} : memref<128x16x2048xf32, #tpu.memory_space<vmem>>, vector<1x16x2048xf32>,
    %roll3A_1127 = arith.constant 2174 : i32
    %roll3A_1128 = tpu.dynamic_rotate %get3A_4 by %roll3A_1127 dim 1 : vector<16x2176xf32>, i32 -> vector<16x2176xf32>
    %slice3A_1129 = vector.extract_strided_slice %roll3A_1128 {offsets = [0, 0], sizes = [16, 2048], strides = [1, 1]} : vector<16x2176xf32> to vector<16x2048xf32>
    %swap3A_1130 = arith.constant 125 : index
    %swap3A_1131 = arith.constant 0 : index
    %swap3A_1132 = arith.constant 0 : index
    %swap3A_1133 = vector.load %arg2[%swap3A_1130, %swap3A_1131, %swap3A_1132] : memref<128x16x2048xf32, #tpu.memory_space<vmem>>, vector<1x16x2048xf32>
    %swap3A_1134 = vector.shape_cast %swap3A_1133 : vector<1x16x2048xf32> to vector<16x2048xf32>
    %swap3A_1135 = vector.shape_cast %slice3A_1129 : vector<16x2048xf32> to vector<1x16x2048xf32>
    tpu.vector_store %arg2[%swap3A_1130, %swap3A_1131, %swap3A_1132], %swap3A_1135 {strides = array<i32>} : memref<128x16x2048xf32, #tpu.memory_space<vmem>>, vector<1x16x2048xf32>,
    %roll3A_1136 = arith.constant 2175 : i32
    %roll3A_1137 = tpu.dynamic_rotate %get3A_4 by %roll3A_1136 dim 1 : vector<16x2176xf32>, i32 -> vector<16x2176xf32>
    %slice3A_1138 = vector.extract_strided_slice %roll3A_1137 {offsets = [0, 0], sizes = [16, 2048], strides = [1, 1]} : vector<16x2176xf32> to vector<16x2048xf32>
    %swap3A_1139 = arith.constant 126 : index
    %swap3A_1140 = arith.constant 0 : index
    %swap3A_1141 = arith.constant 0 : index
    %swap3A_1142 = vector.load %arg2[%swap3A_1139, %swap3A_1140, %swap3A_1141] : memref<128x16x2048xf32, #tpu.memory_space<vmem>>, vector<1x16x2048xf32>
    %swap3A_1143 = vector.shape_cast %swap3A_1142 : vector<1x16x2048xf32> to vector<16x2048xf32>
    %swap3A_1144 = vector.shape_cast %slice3A_1138 : vector<16x2048xf32> to vector<1x16x2048xf32>
    tpu.vector_store %arg2[%swap3A_1139, %swap3A_1140, %swap3A_1141], %swap3A_1144 {strides = array<i32>} : memref<128x16x2048xf32, #tpu.memory_space<vmem>>, vector<1x16x2048xf32>,
    %roll3A_1145 = arith.constant 2176 : i32
    %roll3A_1146 = tpu.dynamic_rotate %get3A_4 by %roll3A_1145 dim 1 : vector<16x2176xf32>, i32 -> vector<16x2176xf32>
    %slice3A_1147 = vector.extract_strided_slice %roll3A_1146 {offsets = [0, 0], sizes = [16, 2048], strides = [1, 1]} : vector<16x2176xf32> to vector<16x2048xf32>
    %swap3A_1148 = arith.constant 127 : index
    %swap3A_1149 = arith.constant 0 : index
    %swap3A_1150 = arith.constant 0 : index
    %swap3A_1151 = vector.load %arg2[%swap3A_1148, %swap3A_1149, %swap3A_1150] : memref<128x16x2048xf32, #tpu.memory_space<vmem>>, vector<1x16x2048xf32>
    %swap3A_1152 = vector.shape_cast %swap3A_1151 : vector<1x16x2048xf32> to vector<16x2048xf32>
    %swap3A_1153 = vector.shape_cast %slice3A_1147 : vector<16x2048xf32> to vector<1x16x2048xf32>
    tpu.vector_store %arg2[%swap3A_1148, %swap3A_1149, %swap3A_1150], %swap3A_1153 {strides = array<i32>} : memref<128x16x2048xf32, #tpu.memory_space<vmem>>, vector<1x16x2048xf32>,
    return
  }
  func.func @transform_0(%arg0: i32) -> (i32, i32) {
    %c0_i32 = arith.constant 0 : i32
    %c0_i32_0 = arith.constant 0 : i32
    %c0_i32_1 = arith.constant 0 : i32
    return %c0_i32, %c0_i32_0 : i32, i32
  }
  func.func @transform_1(%arg0: i32) -> (i32, i32, i32) {
    %c0_i32 = arith.constant 0 : i32
    %c0_i32_0 = arith.constant 0 : i32
    %c0_i32_1 = arith.constant 0 : i32
    return %arg0, %c0_i32, %c0_i32_0 : i32, i32, i32
  }
}

</mosaic_0001>

<sc_bundles>
// kernel: kernel.4.cloned.1.call-start
scs
__scs_entry_jumppad:
0x0: {  	(pc) =	sbr.rel $0x88, $3  }
0x1: {  	(tag) =	ssettag $0x0;
	lr =	simm.s32 $0x1  }
0x2: {  	[smem:$0x3FA0] =	sst lr;
	_ =	strace $0xD0000000  }
0x3: {  	_ = 	snop  }
0x4: {  	_ = 	snop  }
0x5: {  	_ = 	snop  }
0x6: {  	_ = 	snop  }
0x7: {  	_ = 	snop  }
__scs_overlays_trampoline_lowered:
0x8: {  	[smem:$0x3FAF] =	sst s0  }
0x9: {  	[smem:$0x3FB0] =	sst s1  }
0xa: {  	[smem:$0x3FB1] =	sst s2  }
0xb: {  	[smem:$0x3FB2] =	sst s3  }
0xc: {  	[smem:$0x3FB3] =	sst s4  }
0xd: {  	[smem:$0x3FB4] =	sst s5  }
0xe: {  	[smem:$0x3FB5] =	sst s6  }
0xf: {  	[smem:$0x3FB6] =	sst s7  }
0x10: {  	[smem:$0x3FB7] =	sst s8  }
0x11: {  	[smem:$0x3FB8] =	sst s9;
	s0 =	simm.s32 @!p0 $0x0  }
0x12: {  	s1 =	sld [smem:$0x3F9E];
	s0 =	simm.s32 @p0 $0x1  }
0x13: {  	[smem:$0x3FB9] =	sst s0;
	s0 =	simm.s32 @!p1 $0x0  }
0x14: {  	s2 =	sld [smem:$0x3F9D];
	s0 =	simm.s32 @p1 $0x1  }
0x15: {  	[smem:$0x3FBA] =	sst s0;
	s0 =	simm.s32 @!p2 $0x0  }
0x16: {  	s3 =	sld [smem:$0x3FDB];
	s0 =	simm.s32 @p2 $0x1  }
0x17: {  	s4 =	simm.s32 $0x1BF5;
	[smem:$0x3FBC] =	sst s0  }
0x18: {  	s0 =	sld [smem:$0x3F9F];
	_ =	swait.ge [sflag:s4], $0x0  }
0x19: {  	s7 =	sld [smem:$0x3FA0]  }
0x1a: {  	s8 =	sadd.s32 $0xFFFFE003, lr  }
0x1b: {  	s9 =	sadd.s32 $0xFFFFFEF7, lr;
	s5 =	simm.s32 $0xFFFFFFFF;
	p2 =	slt.u32 s8, $0xFFFFF086  }
0x1c: {  	p1 =	slt.u32 s9, $0xF7A;
	s5 =	simm.s32 @!p2 $0x0  }
0x1d: {  	s5 =	simm.s32 @p1 $0x1;
	p0 =	seq.s32 s7, s2  }
0x1e: {  	s7 =	smul.u32 @!p0 $0xF7A, s2;
	p2 =	seq.s32 @!p0 s5, $0x0  }
0x1f: {  	s9 =	smul.u32 $0xF7A, s1;
	s8 =	simm.s32 @!p0 $0x1BF5;
	p2 =	por !p2, p0  }
0x20: {  	[sflag:s8] =	ssyncset.s32 @!p0 $0xFFFFF086;
	s6 =	sadd.s32 @!p0 s3, s7;
	s7 =	simm.s32 @!p0 $0x108  }
0x21: {  	s3 =	sadd.s32 s3, s9;
	s6 =	sadd.s32 @!p0 $0x88, s6;
	s7 =	simm.s32 @p2 $0x1082  }
0x22: {  	[simem:s7], [sflag:s8] =	dma.local @!p0 [hbm:s6], $0xF7A  }
0x23: {  	s9 =	sor.u32 $0xD0000000, s2;
	s6 =	simm.s32 $0x108;
	_ =	swait.ge @!p0 [sflag:s8], $0x0  }
0x24: {  	s3 =	sadd.s32 $0x88, s3;
	s6 =	simm.s32 @!p1 $0x1082;
	[sflag:s4] =	ssyncset.s32 $0xFFFFF086  }
0x25: {  	[simem:s6], [sflag:s4] =	dma.local [hbm:s3], $0xF7A  }
0x26: {  	[smem:$0x3FA0] =	sst s1;
	(tag) =	ssettag s2;
	_ =	strace s9  }
0x27: {  	s1 =	sld [smem:$0x3FB0]  }
0x28: {  	s2 =	sld [smem:$0x3FB1]  }
0x29: {  	s4 =	sld [smem:$0x3FB3]  }
0x2a: {  	p0 =	seq.s32 s5, $0x0;
	s5 =	sld [smem:$0x3FB4]  }
0x2b: {  	s6 =	sld [smem:$0x3FB5]  }
0x2c: {  	s7 =	sld [smem:$0x3FB6]  }
0x2d: {  	s3 =	simm.s32 $0x108;
	s8 =	sld [smem:$0x3FB7]  }
0x2e: {  	s3 =	simm.s32 @!p0 $0x1082;
	s9 =	sld [smem:$0x3FB8]  }
0x2f: {  	lr =	sadd.s32 s0, s3;
	s0 =	sld [smem:$0x3FAF]  }
0x30: {  	s3 =	sld [smem:$0x3FB2]  }
0x31: {  	[smem:$0x3FBB] =	sst s10  }
0x32: {  	s10 =	sld [smem:$0x3FB9];
	_ =	sdelay $0x3  }
0x33: {  	p0 =	seq.s32 s10, $0x1;
	s10 =	sld [smem:$0x3FBB];
	_ =	sdelay $0x3  }
0x34: {  	[smem:$0x3FBB] =	sst s10  }
0x35: {  	s10 =	sld [smem:$0x3FBA];
	_ =	sdelay $0x3  }
0x36: {  	p1 =	seq.s32 s10, $0x1;
	s10 =	sld [smem:$0x3FBB];
	_ =	sdelay $0x3  }
0x37: {  	[smem:$0x3FBB] =	sst s10  }
0x38: {  	s10 =	sld [smem:$0x3FBC]  }
0x39: {  	_ = 	snop;
	(pc) =	sbr.ind lr, $3  }
0x3a: {  	_ = 	snop  }
0x3b: {  	_ = 	snop  }
0x3c: {  	p2 =	seq.s32 s10, $0x1;
	s10 =	sld [smem:$0x3FBB]  }
0x3d: {  	_ =	shalt  }
0x3e: {  	_ =	shalt  }
0x3f: {  	_ =	shalt  }
0x40: {  	_ =	shalt  }
0x41: {  	_ =	shalt  }
0x42: {  	_ =	shalt  }
0x43: {  	_ =	shalt  }
0x44: {  	_ =	shalt  }
0x45: {  	_ =	shalt  }
0x46: {  	_ =	shalt  }
0x47: {  	_ =	shalt  }
0x48: {  	_ =	shalt  }
0x49: {  	_ =	shalt  }
0x4a: {  	_ =	shalt  }
0x4b: {  	_ =	shalt  }
0x4c: {  	_ =	shalt  }
0x4d: {  	_ =	shalt  }
0x4e: {  	_ =	shalt  }
0x4f: {  	_ =	shalt  }
0x50: {  	_ =	shalt  }
0x51: {  	_ =	shalt  }
0x52: {  	_ =	shalt  }
0x53: {  	_ =	shalt  }
0x54: {  	_ =	shalt  }
0x55: {  	_ =	shalt  }
0x56: {  	_ =	shalt  }
0x57: {  	_ =	shalt  }
0x58: {  	_ =	shalt  }
0x59: {  	_ =	shalt  }
0x5a: {  	_ =	shalt  }
0x5b: {  	_ =	shalt  }
0x5c: {  	_ =	shalt  }
0x5d: {  	_ =	shalt  }
0x5e: {  	_ =	shalt  }
0x5f: {  	_ =	shalt  }
0x60: {  	_ =	shalt  }
0x61: {  	_ =	shalt  }
0x62: {  	_ =	shalt  }
0x63: {  	_ =	shalt  }
0x64: {  	_ =	shalt  }
0x65: {  	_ =	shalt  }
0x66: {  	_ =	shalt  }
0x67: {  	_ =	shalt  }
0x68: {  	_ =	shalt  }
0x69: {  	_ =	shalt  }
0x6a: {  	_ =	shalt  }
0x6b: {  	_ =	shalt  }
0x6c: {  	_ =	shalt  }
0x6d: {  	_ =	shalt  }
0x6e: {  	_ =	shalt  }
0x6f: {  	_ =	shalt  }
0x70: {  	_ =	shalt  }
0x71: {  	_ =	shalt  }
0x72: {  	_ =	shalt  }
0x73: {  	_ =	shalt  }
0x74: {  	_ =	shalt  }
0x75: {  	_ =	shalt  }
0x76: {  	_ =	shalt  }
0x77: {  	_ =	shalt  }
0x78: {  	_ =	shalt  }
0x79: {  	_ =	shalt  }
0x7a: {  	_ =	shalt  }
0x7b: {  	_ =	shalt  }
0x7c: {  	_ =	shalt  }
0x7d: {  	_ =	shalt  }
0x7e: {  	_ =	shalt  }
0x7f: {  	_ =	shalt  }
0x80: {  	_ =	shalt  }
0x81: {  	_ =	shalt  }
0x82: {  	_ =	shalt  }
0x83: {  	_ =	shalt  }
0x84: {  	_ =	shalt  }
0x85: {  	_ =	shalt  }
0x86: {  	_ =	shalt  }
0x87: {  	_ =	shalt  }
.Lfunc_end0:
.L_simem_size_0:
called_computation_lowered:
.L_overlay_start_0:
0x88: {  	s2 =	sld [smem:$0x3FD9]  }
0x89: {  	s3 =	sld [smem:$0x3FFE];
	_ =	sdelay $0x1  }
0x8a: {  	s1 =	srdreg.scid  }
0x8b: {  	s0 =	sand.u32 $0x1, s1  }
0x8c: {  	s17 =	sshll.u32 s0, $0xA;
	s2 =	sadd.s32 s3, s2  }
0x8d: {  	s2 =	sadd.s32 s2, s17  }
0x8e: {  	[smem:$0x3FC7] =	sst s2  }
0x8f: {  	_ = 	snop  }
0x90: {  	s2 =	sld [smem:$0x3FD0];
	(tm) =	ssettm $0x1  }
0x91: {  	s18 =	sld [smem:$0x3FFB];
	_ =	sdelay $0x3  }
0x92: {  	_ =	strace s18  }
0x93: {  	s3 =	sld [smem:$0x3FFC];
	_ =	sdelay $0x3  }
0x94: {  	_ =	strace s3  }
0x95: {  	s3 =	sld [smem:$0x3FFD];
	_ =	sdelay $0x3  }
0x96: {  	_ =	strace s3  }
0x97: {  	_ =	strace $0x8FFFFFFF  }
0x98: {  	s19 =	sld [smem:$0x3FDB];
	_ =	sdelay $0x1  }
0x99: {  	s4 =	simm.s32 $_scs_section_size  }
0x9a: {  	s5 =	simm.s32 $_size__tile_overlayer_lowered;
	s6 =	simm.s32 $_tile_overlayer_lowered  }
0x9b: {  	s22 =	simm.s32 $0x1BFF;
	s21 =	sshll.u32 s6, $0x1;
	s3 =	sadd.s32 s4, s19  }
0x9c: {  	s7 =	simm.s32 $0x0;
	s20 =	sshll.u32 s5, $0x1;
	s5 =	sadd.s32 s21, s3  }
0x9d: {  	[timem:s7], [sflag:s22] =	dma.local [hbm:s5], s20  }
0x9e: {  	_ =	swait.ge [sflag:s22], s20  }
0x9f: {  	s4 =	ssub.s32 $0x0, s20;
	[sflag:s22] =	ssyncset.done $0x0  }
0xa0: {  	[sflag:s22] =	ssyncadd.s32 s4;
	_ =	sdelay $0x1  }
0xa1: {  	s23 =	simm.s32 $0x1B8B  }
0xa2: {  	_ =	swait.ge [sflag:s23], $0x1  }
0xa3: {  	[sflag:s23] =	ssyncset.done $0x0  }
0xa4: {  	s25 =	simm.s32 $0x1B8E;
	s24 =	sld [smem:$0x3FFE];
	[sflag:s23] =	ssyncadd.s32 $0xFFFFFFFF  }
0xa5: {  	s26 =	simm.s32 $execute0_lowered;
	[smem:$0x3FD2] =	sst s25  }
0xa6: {  	s5 =	sshll.u32 s26, $0x1;
	_ =	strace $0x80000046;
	[dreg:$0x1] =	wrdreg $0xFFFFFFFF  }
0xa7: {  	s28 =	simm.s32 $_size_execute0_lowered;
	s3 =	sadd.s32 s3, s5;
	[dreg:$0x0] =	wrdreg $0x0  }
0xa8: {  	s5 =	sshll.u32 s28, $0x1;
	[dreg:$0x2] =	wrdreg s3  }
0xa9: {  	[dreg:$0x3] =	wrdreg s5  }
0xaa: {  	[dreg:$0x4] =	wrdreg $0xC0  }
0xab: {  	_ =	task [dreg:s7], $0x5FFFF  }
0xac: {  	[dreg:$0x1] =	wrdreg $0xFFFFFFFF  }
0xad: {  	[dreg:$0x0] =	wrdreg $0x60  }
0xae: {  	[dreg:$0x2] =	wrdreg s24  }
0xaf: {  	[dreg:$0x3] =	wrdreg s2  }
0xb0: {  	[dreg:$0x4] =	wrdreg $0x9  }
0xb1: {  	_ =	task.clear_ibuf [dreg:s7], $0x5FFFF;
	_ =	strace $0x90000046  }
0xb2: {  	s29 =	simm.s32 $0x9;
	_ =	strace $0x80000048  }
0xb3: {  	_ =	swait.ge [sflag:s29], $0x1  }
0xb4: {  	[sflag:s29] =	ssyncadd.s32 $0xFFFFFFFF  }
0xb5: {  	_ =	strace $0x90000048  }
0xb6: {  	_ =	sfence  }
0xb7: {  	s30 =	sld [smem:$0x0];
	_ =	sdelay $0x2  }
0xb8: {  	s31 =	sshll.u32 s1, $0xD;
	s1 =	sshrl.u32 s1, $0x2  }
0xb9: {  	s3 =	sand.u32 $0x4000, s31;
	s1 =	sadd.s32 s1, s30  }
0xba: {  	s0 =	sor.u32 s3, s0;
	s1 =	sshll.u32 s1, $0x11  }
0xbb: {  	s0 =	sor.u32 s1, s0  }
0xbc: {  	s0 =	sadd.s32 $0x8F2B, s0  }
0xbd: {  	[sflag:s0] =	ssyncadd.remote.s32 $0x1  }
0xbe: {  	_ =	sfence.sel $0xFFFF  }
0xbf: {  	[dreg:$0x0] =	wrdreg $0xFFFFFFFF;
	(pc) =	sbr.abs _section_cstart, $3  }
0xc0: {  	[dreg:$0x1] =	wrdreg $0xFFFFFFFF  }
0xc1: {  	_ =	task.clear_ibuf [dreg:s7], $0x2FFFF;
	_ =	strace $0x9FFFFFFF  }
0xc2: {  	(tm) =	ssettm $0x7FFFFFFF  }
0xc3: {  	_ =	shalt  }
tec
execute0_lowered:
.L_overlay_start_1:
0x0: {  	(tag) =	ssettag $0x1  }
0x1: {  	s1 =	srdreg.scid  }
0x2: {  	s0 =	stileid.u32;
	s4 =	sand.u32 $0x1, s1  }
0x3: {  	s1 =	sor.u32 s4, s0  }
0x4: {  	p1 =	seq.s32 s4, $0x1;
	p0 =	seq.s32 s1, $0x0  }
0x5: {  	p0 =	por !p0, !p1  }
0x6: {  	s5 =	rddreg [dreg:$0x0];
	s3 =	simm.s32 $0x1;
	p0 =	por !p0, !p0  }
0x7: {  	s6 =	rddreg [dreg:$0x1];
	s2 =	simm.s32 $0x0;
	s3 =	simm.s32 @!p0 $0x0  }
0x8: {  	[smem:$0x7FF] =	sst s2;
	s9 =	ssub.s32 $0x2, s4;
	s7 =	ssub.s32 s0, s3  }
0x9: {  	s1 =	rddreg [dreg:$0x2];
	_ =	strace $0x80000047;
	s8 =	smul.u32 $0xFF, s7  }
0xa: {  	v0 =	vlaneseq.u32;
	s30 =	sshrl.u32 s9, $0x1;
	s3 =	sshll.u32 s4, $0xB;
	s7 =	sshll.u32 s7, $0xC  }
0xb: {  	v2 =	vmul.u32 $0xFFFFFFFF, v0;
	s31 =	ssub.s32 s9, s30;
	s9 =	simm.s32 $0x0;
	s7 =	sor.u32 s3, s7;
	v1 =	vmov s8  }
0xc: {  	s4 =	sadd.s32 $0x400, s5;
	s5 =	simm.s32 $0x1;
	s7 =	sshrl.u32 s7, $0x3;
	v0 =	vadd.s32 $0x7F, v1  }
0xd: {  	s8 =	simm.s32 $0xFF0;
	s6 =	sadd.s32 s6, s7;
	s7 =	smax.u32 s31, $0x1;
	v1 =	vadd.s32 $0x7FF, v2;
	v0 =	vbroadcast v0, $0x0  }
.LBB2_1:
0xe: {  	v2 =	vmov s3  }
0xf: {  	v2 =	vsub.s32 v1, v2  }
0x10: {  	vm0 =	vgt.s32 v2, $0xFFFFFF81  }
0x11: {  	v2 =	vnsel vm0, $0xFFFFFF81, v2  }
0x12: {  	vm0 =	vlt.s32 v2, $0x7F  }
0x13: {  	s11 =	sadd.s32 $0x10, s3;
	v2 =	vnsel vm0, $0x7F, v2  }
0x14: {  	v3 =	vmov s11;
	v2 =	vadd.s32 v0, v2  }
0x15: {  	[tilespmem:s2], [sflag:$0x1] =	stream.linear.gather [hbm4b:s4+s2], $0xFF0, $0x38;
	v3 =	vsub.s32 v1, v3;
	[tilespmem:$0x17F0] =	vst v63  }
0x16: {  	_ =	swait.ge [sflag:s5], $0xFF0;
	vm15 =	vgt.s32 v3, $0xFFFFFF81  }
0x17: {  	[sflag:s5] =	ssyncset.done $0x0;
	v3 =	vnsel vm15, $0xFFFFFF81, v3  }
0x18: {  	[sflag:s5] =	ssyncadd.s32 $0xFFFFF010;
	vm0 =	vlt.s32 v3, $0x7F  }
0x19: {  	v4 =	vnsel vm0, $0x7F, v3;
	v3 =	vld.idx.msk [tilespmem:v2+s2+$0x0], $0xffff  }
0x1a: {  	s10 =	simm.s32 $0x40;
	s12 =	sadd.s32 $0x10, s11;
	v2 =	vadd.s32 v0, v4  }
0x1b: {  	s14 =	simm.s32 $0xC0;
	s13 =	simm.s32 $0x0;
	s11 =	simm.s32 $0x80;
	v4 =	vmov s12  }
.LBB2_2:
0x1c: {  	p0 =	sne.s32 s14, $0x1FC0;
	v4 =	vsub.s32 v1, v4  }
0x1d: {  	s15 =	sshra.s32 s13, $0x2;
	s13 =	smov.u32 s10;
	s10 =	smov.u32 s11;
	vm0 =	vgt.s32 v4, $0xFFFFFF81  }
.Ltmp0:
0x1e: {  	s11 =	smov.u32 s14;
	v4 =	vnsel vm0, $0xFFFFFF81, v4;
	[tilespmem:s15+$0xFF0] =	vst v3;
	(pc) =	sbr.rel @p0 .LBB2_2-.Ltmp0, $4  }
0x1f: {  	vm0 =	vlt.s32 v4, $0x7F;
	v3 =	vld.idx.msk [tilespmem:v2+s2+$0x0], $0xffff  }
0x20: {  	v2 =	vnsel vm0, $0x7F, v4  }
0x21: {  	s12 =	sadd.s32 $0x10, s12;
	v2 =	vadd.s32 v0, v2  }
0x22: {  	s14 =	sadd.s32 $0x40, s14;
	v4 =	vmov s12  }
0x23: {  	v4 =	vsub.s32 v1, v4  }
0x24: {  	vm0 =	vgt.s32 v4, $0xFFFFFF81  }
0x25: {  	s12 =	sshra.s32 s13, $0x2;
	v4 =	vnsel vm0, $0xFFFFFF81, v4  }
0x26: {  	[tilespmem:s12+$0xFF0] =	vst v3;
	vm0 =	vlt.s32 v4, $0x7F  }
0x27: {  	v2 =	vld.idx.msk [tilespmem:v2+s2+$0x0], $0xffff;
	v3 =	vnsel vm0, $0x7F, v4  }
0x28: {  	v3 =	vadd.s32 v0, v3;
	_ =	sdelay $0x2  }
0x29: {  	s10 =	sshra.s32 s10, $0x2  }
0x2a: {  	[tilespmem:s10+$0xFF0] =	vst v2  }
0x2b: {  	v2 =	vld.idx.msk [tilespmem:v3+s2+$0x0], $0xffff;
	_ =	sdelay $0x2  }
0x2c: {  	s9 =	sadd.s32 $0x1, s9  }
0x2d: {  	s31 =	sshra.s32 s11, $0x2;
	p0 =	sne.s32 s9, s7  }
.Ltmp1:
0x2e: {  	[tilespmem:s31+$0xFF0] =	vst v2;
	(pc) =	sbr.rel @p0 .LBB2_1-.Ltmp1, $4  }
0x2f: {  	[hbm4b:s6+s2] =	stream.linear.scatter [tilespmem:s8], [sflag:$0x1], $0x800, $0x38;
	[tilespmem:$0x17F0] =	vst v63  }
0x30: {  	_ =	swait.ge [sflag:s5], $0x800  }
0x31: {  	[sflag:s5] =	ssyncset.done $0x0  }
0x32: {  	[sflag:s5] =	ssyncadd.s32 $0xFFFFF800  }
0x33: {  	_ =	sfence.sel $0x180000  }
0x34: {  	[bflag:$0x0] =	sbarrier.arrive $0xFFFF  }
0x35: {  	p0 =	sne.s32 s0, $0x0;
	_ =	strace $0x90000047  }
0x36: {  	s0 =	sadd.s32 @!p0 $0x100000, s1;
	[bflag:$0x2] =	sbarrier.arrive $0xFFFF  }
0x37: {  	[sflag:s0] =	ssyncadd.tile.s32 @!p0 $0x1;
	_ =	shalt  }
.Lfunc_end2:
_tile_overlayer_lowered:
.L_overlay_start_2:
0x38: {  	(tag) =	ssettag $0x2  }
0x39: {  	s0 =	rddreg [dreg:$0x0];
	s2 =	stileid.u32  }
0x3a: {  	s1 =	rddreg [dreg:$0x1];
	p0 =	sne.s32 s2, $0x0  }
0x3b: {  	s3 =	rddreg [dreg:$0x2];
	[bflag:$0x3] =	sbarrier.arrive $0xFFFF;
	s2 =	simm.s32 @!p0 $0x1C01  }
0x3c: {  	[timem:s3], [sflag:s2] =	dma.local @!p0 [hbm:s0], s1  }
0x3d: {  	s0 =	simm.s32 @!p0 $0x1  }
0x3e: {  	_ =	swait.ge @!p0 [sflag:s0], s1  }
0x3f: {  	s1 =	ssub.s32 @!p0 $0x0, s1;
	[sflag:s0] =	ssyncset.done @!p0 $0x0  }
0x40: {  	[sflag:s0] =	ssyncadd.s32 @!p0 s1  }
0x41: {  	[bflag:$0x3] =	sbarrier.arrive $0xFFFF  }
0x42: {  	_ =	shalt  }

</sc_bundles>
